<compile_context>
chip_gen: v7x
topology: tpu7x:2x2x1
jax: 0.10.2.dev20260603
libtpu: 0.0.44.dev20260713+nightly
codegen_flags: <defaults>
</compile_context>

<pallas_src>
import functools

import jax
import jax.numpy as jnp
from jax import lax
from jax.experimental import pallas as pl
from jax.experimental.pallas import tpu as pltpu
from jax.experimental.pallas import tpu_sc as plsc

B = 16384
E = 10
S = 26
D = 16
TR = 32
BLK = 8192
CH = 16
NG = B // 128


@functools.lru_cache(maxsize=None)
def _make_sc_gather():
    info = plsc.get_sparse_core_info()
    nc, ns = info.num_cores, info.num_subcores
    nw = nc * ns
    bpw = B // nw
    gpw = bpw // 128
    mesh = plsc.VectorSubcoreMesh(core_axis_name="c", subcore_axis_name="s")

    @functools.partial(
        pl.kernel,
        mesh=mesh,
        out_type=jax.ShapeDtypeStruct((NG * D, 128), jnp.float32),
        scratch_types=[
            pltpu.VMEM((TR, D), jnp.float32),
            pltpu.VMEM((bpw,), jnp.int32),
            pltpu.VMEM((bpw,), jnp.float32),
            pltpu.VMEM((gpw * D, 128), jnp.float32),
            pltpu.SemaphoreType.DMA,
        ],
        compiler_params=pltpu.CompilerParams(
            use_tc_tiling_on_sc=False, needs_layout_passes=False),
    )
    def sc_gather(tbl_hbm, idx_hbm, dlt_hbm, out_hbm,
                  tbl_v, idx_v, dlt_v, gt_v, sem):
        wid = lax.axis_index("s") * nc + lax.axis_index("c")
        base = wid * bpw
        cp1 = pltpu.async_copy(tbl_hbm, tbl_v, sem)
        cp2 = pltpu.async_copy(idx_hbm.at[pl.ds(base, bpw)], idx_v, sem)
        cp3 = pltpu.async_copy(dlt_hbm.at[pl.ds(base, bpw)], dlt_v, sem)
        cp1.wait()
        cp2.wait()

        @plsc.parallel_loop(0, bpw // CH, unroll=4)
        def chunk(k):
            c16 = idx_v[pl.ds(k * CH, CH)]
            row0 = D * (k // 8)
            lane0 = (k % 8) * CH
            for j in range(E):
                cj = jnp.full((CH,), j, jnp.int32)
                gt_v[row0 + j, pl.ds(lane0, CH)] = (
                    plsc.load_gather(tbl_v, [c16, cj]))

        cp3.wait()

        @plsc.parallel_loop(0, bpw // CH, unroll=8)
        def dchunk(k):
            gt_v[D * (k // 8) + E, pl.ds((k % 8) * CH, CH)] = (
                dlt_v[pl.ds(k * CH, CH)])

        pltpu.sync_copy(gt_v, out_hbm.at[pl.ds(wid * gpw * D, gpw * D)])

    return sc_gather


def _tc_body(g_ref, w_ref, b_ref, o_ref):
    gt = jnp.concatenate(
        [g_ref[D * c:D * c + E + 1, :] for c in range(BLK // 128)],
        axis=1)
    logits = lax.dot_general(
        w_ref[...], gt, (((1,), (0,)), ((), ())),
        preferred_element_type=jnp.float32)
    logits = logits + b_ref[...]
    m = jnp.max(logits, axis=0, keepdims=True)
    e = jnp.exp(logits - m)
    s = jnp.sum(e, axis=0, keepdims=True)
    o_ref[...] = logits - m - jnp.log(s)


def kernel(c_idx, delta, emb_table, W, b):
    tbl = jnp.zeros((TR, D), jnp.float32).at[:S, :E].set(emb_table)
    g_s = _make_sc_gather()(tbl, c_idx.astype(jnp.int32), delta)

    out_t = pl.pallas_call(
        _tc_body,
        grid=(B // BLK,),
        in_specs=[
            pl.BlockSpec((BLK // 128 * D, 128), lambda i: (i, 0)),
            pl.BlockSpec((S, E + 1), lambda i: (0, 0)),
            pl.BlockSpec((S, 1), lambda i: (0, 0)),
        ],
        out_specs=pl.BlockSpec((S, BLK), lambda i: (0, i)),
        out_shape=jax.ShapeDtypeStruct((S, B), jnp.float32),
    )(g_s, W, b.reshape(S, 1))
    return out_t.T

# --- scband reference (transcript-rebuilt; emitter-appended) ---
"""Pipeline reference for scband-net-67680094650474 (READ-ONLY COPY).

The authoritative reference and input builder live on the scoring server;
editing this copy changes nothing except your own understanding.
"""

import jax, jax.numpy as jnp
import numpy as np

N_EMB_DIM = 10
N_SYMBOL = 26
BATCH = 16384

def setup_inputs(seed: int = 0) -> dict:
    key = jax.random.key(seed)
    k1, k2, k3, k4, k5 = jax.random.split(key, 5)
    c_idx = jax.random.randint(k1, (BATCH,), 0, N_SYMBOL, dtype=jnp.int64 if jax.config.jax_enable_x64 else jnp.int32)
    delta = jax.random.normal(k2, (BATCH,), dtype=jnp.float32)
    emb_table = jax.random.normal(k3, (N_SYMBOL, N_EMB_DIM), dtype=jnp.float32)
    # Linear(N_EMB_DIM + 1, N_SYMBOL): weight [out, in], bias [out]
    bound = 1.0 / np.sqrt(N_EMB_DIM + 1)
    W = jax.random.uniform(k4, (N_SYMBOL, N_EMB_DIM + 1), minval=-bound, maxval=bound, dtype=jnp.float32)
    b = jax.random.uniform(k5, (N_SYMBOL,), minval=-bound, maxval=bound, dtype=jnp.float32)
    return {"c_idx": c_idx, "delta": delta, "emb_table": emb_table, "W": W, "b": b}

def reference(c_idx, delta, emb_table, W, b):
    emb_out = jnp.take(emb_table, c_idx, axis=0)            # [B, N_EMB_DIM]
    final_input = jnp.concatenate((emb_out, delta.reshape(-1, 1)), axis=1)  # [B, N_EMB_DIM+1]
    logits = final_input @ W.T + b                           # [B, N_SYMBOL]
    return jax.nn.log_softmax(logits, axis=1)

if __name__ == "__main__":
    import jax
    _d = setup_inputs()
    print(jax.jit(kernel)(*tuple(_d.values())))

</pallas_src>

<mosaic_0001>
#map = affine_map<(d0, d1) -> (0, 0)>
#map1 = affine_map<(d0, d1) -> (0)>
module attributes {stable_mosaic.version = 14 : i64} {
  func.func @sc_gather(%arg0: i32, %arg1: i32, %arg2: memref<32x16xf32, #tpu.memory_space<hbm>>, %arg3: memref<16384xi32, #tpu.memory_space<hbm>>, %arg4: memref<16384xf32, #tpu.memory_space<hbm>>, %arg5: memref<2048x128xf32, #tpu.memory_space<hbm>>, %arg6: memref<32x16xf32, #tpu.memory_space<vmem>>, %arg7: memref<512xi32, #tpu.memory_space<vmem>>, %arg8: memref<512xf32, #tpu.memory_space<vmem>>, %arg9: memref<64x128xf32, #tpu.memory_space<vmem>>, %arg10: memref<!tpu.dma_semaphore, #tpu.memory_space<semaphore_mem>>) attributes {dimension_semantics = [#tpu.dimension_semantics<core_parallel>, #tpu.dimension_semantics<subcore_parallel>], iteration_bounds = array<i64: 2, 16>, scalar_prefetch = 0 : i64, scratch_operands = 5 : i64, tpu.core_type = #tpu.core_type<sc_vector_subcore>, window_params = [{transform_indices = #map}, {transform_indices = #map1}, {transform_indices = #map1}, {transform_indices = #map}]} {
    %mul3A = arith.constant 2 : i32
    %mul3A_0 = arith.muli %arg1, %mul3A : i32
    %add3A = arith.addi %mul3A_0, %arg0 : i32
    %mul3A_1 = arith.constant 512 : i32
    %mul3A_2 = arith.muli %add3A, %mul3A_1 : i32
    tpu.enqueue_dma source(%arg2 : memref<32x16xf32, #tpu.memory_space<hbm>>) target(%arg6 : memref<32x16xf32, #tpu.memory_space<vmem>>) target_semaphore(%arg10 : memref<!tpu.dma_semaphore, #tpu.memory_space<semaphore_mem>>)
    %dma_start3A = tpu.memref_slice %arg3[%mul3A_2] : memref<16384xi32, #tpu.memory_space<hbm>> -> memref<512xi32, #tpu.memory_space<hbm>>
    %dma_start3A_3 = tpu.memref_slice %arg3[%mul3A_2] : memref<16384xi32, #tpu.memory_space<hbm>> -> memref<512xi32, #tpu.memory_space<hbm>>
    tpu.enqueue_dma source(%dma_start3A_3 : memref<512xi32, #tpu.memory_space<hbm>>) target(%arg7 : memref<512xi32, #tpu.memory_space<vmem>>) target_semaphore(%arg10 : memref<!tpu.dma_semaphore, #tpu.memory_space<semaphore_mem>>)
    %dma_start3A_4 = tpu.memref_slice %arg4[%mul3A_2] : memref<16384xf32, #tpu.memory_space<hbm>> -> memref<512xf32, #tpu.memory_space<hbm>>
    %dma_start3A_5 = tpu.memref_slice %arg4[%mul3A_2] : memref<16384xf32, #tpu.memory_space<hbm>> -> memref<512xf32, #tpu.memory_space<hbm>>
    tpu.enqueue_dma source(%dma_start3A_5 : memref<512xf32, #tpu.memory_space<hbm>>) target(%arg8 : memref<512xf32, #tpu.memory_space<vmem>>) target_semaphore(%arg10 : memref<!tpu.dma_semaphore, #tpu.memory_space<semaphore_mem>>)
    tpu.wait_dma2 semaphore(%arg10 : memref<!tpu.dma_semaphore, #tpu.memory_space<semaphore_mem>>) src(%arg2 : memref<32x16xf32, #tpu.memory_space<hbm>>) dst(%arg6 : memref<32x16xf32, #tpu.memory_space<vmem>>)
    %dma_wait3A = tpu.memref_slice %arg3[%mul3A_2] : memref<16384xi32, #tpu.memory_space<hbm>> -> memref<512xi32, #tpu.memory_space<hbm>>
    %dma_wait3A_6 = tpu.memref_slice %arg3[%mul3A_2] : memref<16384xi32, #tpu.memory_space<hbm>> -> memref<512xi32, #tpu.memory_space<hbm>>
    tpu.wait_dma2 semaphore(%arg10 : memref<!tpu.dma_semaphore, #tpu.memory_space<semaphore_mem>>) src(%dma_wait3A_6 : memref<512xi32, #tpu.memory_space<hbm>>) dst(%arg7 : memref<512xi32, #tpu.memory_space<vmem>>)
    %parallel_loop3A = arith.constant 0 : i32
    %parallel_loop3A_7 = arith.constant 32 : i32
    %parallel_loop3A_8 = arith.constant 1 : i32
    scf.for %parallel_loop3A_18 = %parallel_loop3A to %parallel_loop3A_7 step %parallel_loop3A_8  : i32 {
      %parallel_loop3A_19 = arith.constant 16 : i32
      %parallel_loop3A_20 = arith.muli %parallel_loop3A_18, %parallel_loop3A_19 : i32
      %parallel_loop3A_21 = arith.index_cast %parallel_loop3A_20 : i32 to index
      %parallel_loop3A_22 = tpu.vector_load %arg7[%parallel_loop3A_21] {strides = array<i32>} : memref<512xi32, #tpu.memory_space<vmem>>, vector<16xi32>,
      %parallel_loop3A_23 = arith.constant 8 : i32
      %parallel_loop3A_24 = arith.divsi %parallel_loop3A_18, %parallel_loop3A_23 : i32
      %parallel_loop3A_25 = arith.constant 0 : i32
      %parallel_loop3A_26 = arith.cmpi sgt, %parallel_loop3A_18, %parallel_loop3A_25 : i32
      %parallel_loop3A_27 = arith.extui %parallel_loop3A_26 : i1 to i32
      %parallel_loop3A_28 = arith.constant 0 : i32
      %parallel_loop3A_29 = arith.cmpi slt, %parallel_loop3A_18, %parallel_loop3A_28 : i32
      %parallel_loop3A_30 = arith.extui %parallel_loop3A_29 : i1 to i32
      %parallel_loop3A_31 = arith.subi %parallel_loop3A_27, %parallel_loop3A_30 : i32
      %parallel_loop3A_32 = arith.constant 0 : i32
      %parallel_loop3A_33 = arith.cmpi sgt, %parallel_loop3A_23, %parallel_loop3A_32 : i32
      %parallel_loop3A_34 = arith.extui %parallel_loop3A_33 : i1 to i32
      %parallel_loop3A_35 = arith.constant 0 : i32
      %parallel_loop3A_36 = arith.cmpi slt, %parallel_loop3A_23, %parallel_loop3A_35 : i32
      %parallel_loop3A_37 = arith.extui %parallel_loop3A_36 : i1 to i32
      %parallel_loop3A_38 = arith.subi %parallel_loop3A_34, %parallel_loop3A_37 : i32
      %parallel_loop3A_39 = arith.cmpi ne, %parallel_loop3A_31, %parallel_loop3A_38 : i32
      %parallel_loop3A_40 = arith.remsi %parallel_loop3A_18, %parallel_loop3A_23 : i32
      %parallel_loop3A_41 = arith.constant 0 : i32
      %parallel_loop3A_42 = arith.cmpi ne, %parallel_loop3A_40, %parallel_loop3A_41 : i32
      %parallel_loop3A_43 = arith.andi %parallel_loop3A_39, %parallel_loop3A_42 : i1
      %parallel_loop3A_44 = arith.constant 1 : i32
      %parallel_loop3A_45 = arith.subi %parallel_loop3A_24, %parallel_loop3A_44 : i32
      %parallel_loop3A_46 = arith.select %parallel_loop3A_43, %parallel_loop3A_45, %parallel_loop3A_24 : i32
      %parallel_loop3A_47 = arith.constant 16 : i32
      %parallel_loop3A_48 = arith.muli %parallel_loop3A_47, %parallel_loop3A_46 : i32
      %parallel_loop3A_49 = arith.constant 8 : i32
      %parallel_loop3A_50 = arith.constant 0 : i32
      %parallel_loop3A_51 = arith.cmpi eq, %parallel_loop3A_49, %parallel_loop3A_50 : i32
      %parallel_loop3A_52 = arith.constant 1 : i32
      %parallel_loop3A_53 = arith.select %parallel_loop3A_51, %parallel_loop3A_52, %parallel_loop3A_49 : i32
      %parallel_loop3A_54 = arith.remsi %parallel_loop3A_18, %parallel_loop3A_53 : i32
      %parallel_loop3A_55 = arith.constant 0 : i32
      %parallel_loop3A_56 = arith.cmpi ne, %parallel_loop3A_54, %parallel_loop3A_55 : i32
      %parallel_loop3A_57 = arith.constant 0 : i32
      %parallel_loop3A_58 = arith.cmpi slt, %parallel_loop3A_54, %parallel_loop3A_57 : i32
      %parallel_loop3A_59 = arith.constant 0 : i32
      %parallel_loop3A_60 = arith.cmpi slt, %parallel_loop3A_53, %parallel_loop3A_59 : i32
      %parallel_loop3A_61 = arith.xori %parallel_loop3A_58, %parallel_loop3A_60 : i1
      %parallel_loop3A_62 = arith.andi %parallel_loop3A_61, %parallel_loop3A_56 : i1
      %parallel_loop3A_63 = arith.addi %parallel_loop3A_54, %parallel_loop3A_53 : i32
      %parallel_loop3A_64 = arith.select %parallel_loop3A_62, %parallel_loop3A_63, %parallel_loop3A_54 : i32
      %parallel_loop3A_65 = arith.constant 16 : i32
      %parallel_loop3A_66 = arith.muli %parallel_loop3A_64, %parallel_loop3A_65 : i32
      %parallel_loop3A_67 = arith.constant 0 : i32
      %parallel_loop3A_68 = vector.broadcast %parallel_loop3A_67 : i32 to vector<16xi32>
      %parallel_loop3A_69 = tpu.vector_load_idx %arg6[%parallel_loop3A_22, %parallel_loop3A_68] : memref<32x16xf32, #tpu.memory_space<vmem>>[vector<16xi32>, vector<16xi32>], vector<16xf32>,
      %parallel_loop3A_70 = arith.constant 0 : i32
      %parallel_loop3A_71 = arith.addi %parallel_loop3A_48, %parallel_loop3A_70 : i32
      %parallel_loop3A_72 = arith.index_cast %parallel_loop3A_71 : i32 to index
      %parallel_loop3A_73 = arith.index_cast %parallel_loop3A_66 : i32 to index
      %parallel_loop3A_74 = tpu.vector_load %arg9[%parallel_loop3A_72, %parallel_loop3A_73] {strides = array<i32>} : memref<64x128xf32, #tpu.memory_space<vmem>>, vector<16xf32>,
      tpu.vector_store %arg9[%parallel_loop3A_72, %parallel_loop3A_73], %parallel_loop3A_69 {strides = array<i32>} : memref<64x128xf32, #tpu.memory_space<vmem>>, vector<16xf32>,
      %parallel_loop3A_75 = arith.constant 1 : i32
      %parallel_loop3A_76 = vector.broadcast %parallel_loop3A_75 : i32 to vector<16xi32>
      %parallel_loop3A_77 = tpu.vector_load_idx %arg6[%parallel_loop3A_22, %parallel_loop3A_76] : memref<32x16xf32, #tpu.memory_space<vmem>>[vector<16xi32>, vector<16xi32>], vector<16xf32>,
      %parallel_loop3A_78 = arith.constant 1 : i32
      %parallel_loop3A_79 = arith.addi %parallel_loop3A_48, %parallel_loop3A_78 : i32
      %parallel_loop3A_80 = arith.index_cast %parallel_loop3A_79 : i32 to index
      %parallel_loop3A_81 = arith.index_cast %parallel_loop3A_66 : i32 to index
      %parallel_loop3A_82 = tpu.vector_load %arg9[%parallel_loop3A_80, %parallel_loop3A_81] {strides = array<i32>} : memref<64x128xf32, #tpu.memory_space<vmem>>, vector<16xf32>,
      tpu.vector_store %arg9[%parallel_loop3A_80, %parallel_loop3A_81], %parallel_loop3A_77 {strides = array<i32>} : memref<64x128xf32, #tpu.memory_space<vmem>>, vector<16xf32>,
      %parallel_loop3A_83 = arith.constant 2 : i32
      %parallel_loop3A_84 = vector.broadcast %parallel_loop3A_83 : i32 to vector<16xi32>
      %parallel_loop3A_85 = tpu.vector_load_idx %arg6[%parallel_loop3A_22, %parallel_loop3A_84] : memref<32x16xf32, #tpu.memory_space<vmem>>[vector<16xi32>, vector<16xi32>], vector<16xf32>,
      %parallel_loop3A_86 = arith.constant 2 : i32
      %parallel_loop3A_87 = arith.addi %parallel_loop3A_48, %parallel_loop3A_86 : i32
      %parallel_loop3A_88 = arith.index_cast %parallel_loop3A_87 : i32 to index
      %parallel_loop3A_89 = arith.index_cast %parallel_loop3A_66 : i32 to index
      %parallel_loop3A_90 = tpu.vector_load %arg9[%parallel_loop3A_88, %parallel_loop3A_89] {strides = array<i32>} : memref<64x128xf32, #tpu.memory_space<vmem>>, vector<16xf32>,
      tpu.vector_store %arg9[%parallel_loop3A_88, %parallel_loop3A_89], %parallel_loop3A_85 {strides = array<i32>} : memref<64x128xf32, #tpu.memory_space<vmem>>, vector<16xf32>,
      %parallel_loop3A_91 = arith.constant 3 : i32
      %parallel_loop3A_92 = vector.broadcast %parallel_loop3A_91 : i32 to vector<16xi32>
      %parallel_loop3A_93 = tpu.vector_load_idx %arg6[%parallel_loop3A_22, %parallel_loop3A_92] : memref<32x16xf32, #tpu.memory_space<vmem>>[vector<16xi32>, vector<16xi32>], vector<16xf32>,
      %parallel_loop3A_94 = arith.constant 3 : i32
      %parallel_loop3A_95 = arith.addi %parallel_loop3A_48, %parallel_loop3A_94 : i32
      %parallel_loop3A_96 = arith.index_cast %parallel_loop3A_95 : i32 to index
      %parallel_loop3A_97 = arith.index_cast %parallel_loop3A_66 : i32 to index
      %parallel_loop3A_98 = tpu.vector_load %arg9[%parallel_loop3A_96, %parallel_loop3A_97] {strides = array<i32>} : memref<64x128xf32, #tpu.memory_space<vmem>>, vector<16xf32>,
      tpu.vector_store %arg9[%parallel_loop3A_96, %parallel_loop3A_97], %parallel_loop3A_93 {strides = array<i32>} : memref<64x128xf32, #tpu.memory_space<vmem>>, vector<16xf32>,
      %parallel_loop3A_99 = arith.constant 4 : i32
      %parallel_loop3A_100 = vector.broadcast %parallel_loop3A_99 : i32 to vector<16xi32>
      %parallel_loop3A_101 = tpu.vector_load_idx %arg6[%parallel_loop3A_22, %parallel_loop3A_100] : memref<32x16xf32, #tpu.memory_space<vmem>>[vector<16xi32>, vector<16xi32>], vector<16xf32>,
      %parallel_loop3A_102 = arith.constant 4 : i32
      %parallel_loop3A_103 = arith.addi %parallel_loop3A_48, %parallel_loop3A_102 : i32
      %parallel_loop3A_104 = arith.index_cast %parallel_loop3A_103 : i32 to index
      %parallel_loop3A_105 = arith.index_cast %parallel_loop3A_66 : i32 to index
      %parallel_loop3A_106 = tpu.vector_load %arg9[%parallel_loop3A_104, %parallel_loop3A_105] {strides = array<i32>} : memref<64x128xf32, #tpu.memory_space<vmem>>, vector<16xf32>,
      tpu.vector_store %arg9[%parallel_loop3A_104, %parallel_loop3A_105], %parallel_loop3A_101 {strides = array<i32>} : memref<64x128xf32, #tpu.memory_space<vmem>>, vector<16xf32>,
      %parallel_loop3A_107 = arith.constant 5 : i32
      %parallel_loop3A_108 = vector.broadcast %parallel_loop3A_107 : i32 to vector<16xi32>
      %parallel_loop3A_109 = tpu.vector_load_idx %arg6[%parallel_loop3A_22, %parallel_loop3A_108] : memref<32x16xf32, #tpu.memory_space<vmem>>[vector<16xi32>, vector<16xi32>], vector<16xf32>,
      %parallel_loop3A_110 = arith.constant 5 : i32
      %parallel_loop3A_111 = arith.addi %parallel_loop3A_48, %parallel_loop3A_110 : i32
      %parallel_loop3A_112 = arith.index_cast %parallel_loop3A_111 : i32 to index
      %parallel_loop3A_113 = arith.index_cast %parallel_loop3A_66 : i32 to index
      %parallel_loop3A_114 = tpu.vector_load %arg9[%parallel_loop3A_112, %parallel_loop3A_113] {strides = array<i32>} : memref<64x128xf32, #tpu.memory_space<vmem>>, vector<16xf32>,
      tpu.vector_store %arg9[%parallel_loop3A_112, %parallel_loop3A_113], %parallel_loop3A_109 {strides = array<i32>} : memref<64x128xf32, #tpu.memory_space<vmem>>, vector<16xf32>,
      %parallel_loop3A_115 = arith.constant 6 : i32
      %parallel_loop3A_116 = vector.broadcast %parallel_loop3A_115 : i32 to vector<16xi32>
      %parallel_loop3A_117 = tpu.vector_load_idx %arg6[%parallel_loop3A_22, %parallel_loop3A_116] : memref<32x16xf32, #tpu.memory_space<vmem>>[vector<16xi32>, vector<16xi32>], vector<16xf32>,
      %parallel_loop3A_118 = arith.constant 6 : i32
      %parallel_loop3A_119 = arith.addi %parallel_loop3A_48, %parallel_loop3A_118 : i32
      %parallel_loop3A_120 = arith.index_cast %parallel_loop3A_119 : i32 to index
      %parallel_loop3A_121 = arith.index_cast %parallel_loop3A_66 : i32 to index
      %parallel_loop3A_122 = tpu.vector_load %arg9[%parallel_loop3A_120, %parallel_loop3A_121] {strides = array<i32>} : memref<64x128xf32, #tpu.memory_space<vmem>>, vector<16xf32>,
      tpu.vector_store %arg9[%parallel_loop3A_120, %parallel_loop3A_121], %parallel_loop3A_117 {strides = array<i32>} : memref<64x128xf32, #tpu.memory_space<vmem>>, vector<16xf32>,
      %parallel_loop3A_123 = arith.constant 7 : i32
      %parallel_loop3A_124 = vector.broadcast %parallel_loop3A_123 : i32 to vector<16xi32>
      %parallel_loop3A_125 = tpu.vector_load_idx %arg6[%parallel_loop3A_22, %parallel_loop3A_124] : memref<32x16xf32, #tpu.memory_space<vmem>>[vector<16xi32>, vector<16xi32>], vector<16xf32>,
      %parallel_loop3A_126 = arith.constant 7 : i32
      %parallel_loop3A_127 = arith.addi %parallel_loop3A_48, %parallel_loop3A_126 : i32
      %parallel_loop3A_128 = arith.index_cast %parallel_loop3A_127 : i32 to index
      %parallel_loop3A_129 = arith.index_cast %parallel_loop3A_66 : i32 to index
      %parallel_loop3A_130 = tpu.vector_load %arg9[%parallel_loop3A_128, %parallel_loop3A_129] {strides = array<i32>} : memref<64x128xf32, #tpu.memory_space<vmem>>, vector<16xf32>,
      tpu.vector_store %arg9[%parallel_loop3A_128, %parallel_loop3A_129], %parallel_loop3A_125 {strides = array<i32>} : memref<64x128xf32, #tpu.memory_space<vmem>>, vector<16xf32>,
      %parallel_loop3A_131 = arith.constant 8 : i32
      %parallel_loop3A_132 = vector.broadcast %parallel_loop3A_131 : i32 to vector<16xi32>
      %parallel_loop3A_133 = tpu.vector_load_idx %arg6[%parallel_loop3A_22, %parallel_loop3A_132] : memref<32x16xf32, #tpu.memory_space<vmem>>[vector<16xi32>, vector<16xi32>], vector<16xf32>,
      %parallel_loop3A_134 = arith.constant 8 : i32
      %parallel_loop3A_135 = arith.addi %parallel_loop3A_48, %parallel_loop3A_134 : i32
      %parallel_loop3A_136 = arith.index_cast %parallel_loop3A_135 : i32 to index
      %parallel_loop3A_137 = arith.index_cast %parallel_loop3A_66 : i32 to index
      %parallel_loop3A_138 = tpu.vector_load %arg9[%parallel_loop3A_136, %parallel_loop3A_137] {strides = array<i32>} : memref<64x128xf32, #tpu.memory_space<vmem>>, vector<16xf32>,
      tpu.vector_store %arg9[%parallel_loop3A_136, %parallel_loop3A_137], %parallel_loop3A_133 {strides = array<i32>} : memref<64x128xf32, #tpu.memory_space<vmem>>, vector<16xf32>,
      %parallel_loop3A_139 = arith.constant 9 : i32
      %parallel_loop3A_140 = vector.broadcast %parallel_loop3A_139 : i32 to vector<16xi32>
      %parallel_loop3A_141 = tpu.vector_load_idx %arg6[%parallel_loop3A_22, %parallel_loop3A_140] : memref<32x16xf32, #tpu.memory_space<vmem>>[vector<16xi32>, vector<16xi32>], vector<16xf32>,
      %parallel_loop3A_142 = arith.constant 9 : i32
      %parallel_loop3A_143 = arith.addi %parallel_loop3A_48, %parallel_loop3A_142 : i32
      %parallel_loop3A_144 = arith.index_cast %parallel_loop3A_143 : i32 to index
      %parallel_loop3A_145 = arith.index_cast %parallel_loop3A_66 : i32 to index
      %parallel_loop3A_146 = tpu.vector_load %arg9[%parallel_loop3A_144, %parallel_loop3A_145] {strides = array<i32>} : memref<64x128xf32, #tpu.memory_space<vmem>>, vector<16xf32>,
      tpu.vector_store %arg9[%parallel_loop3A_144, %parallel_loop3A_145], %parallel_loop3A_141 {strides = array<i32>} : memref<64x128xf32, #tpu.memory_space<vmem>>, vector<16xf32>,
    } {sc.loop_unroll_factor = 4 : i64, sc.parallel_access}
    %dma_wait3A_9 = tpu.memref_slice %arg4[%mul3A_2] : memref<16384xf32, #tpu.memory_space<hbm>> -> memref<512xf32, #tpu.memory_space<hbm>>
    %dma_wait3A_10 = tpu.memref_slice %arg4[%mul3A_2] : memref<16384xf32, #tpu.memory_space<hbm>> -> memref<512xf32, #tpu.memory_space<hbm>>
    tpu.wait_dma2 semaphore(%arg10 : memref<!tpu.dma_semaphore, #tpu.memory_space<semaphore_mem>>) src(%dma_wait3A_10 : memref<512xf32, #tpu.memory_space<hbm>>) dst(%arg8 : memref<512xf32, #tpu.memory_space<vmem>>)
    %parallel_loop3A_11 = arith.constant 0 : i32
    %parallel_loop3A_12 = arith.constant 32 : i32
    %parallel_loop3A_13 = arith.constant 1 : i32
    scf.for %parallel_loop3A_18 = %parallel_loop3A_11 to %parallel_loop3A_12 step %parallel_loop3A_13  : i32 {
      %parallel_loop3A_19 = arith.constant 16 : i32
      %parallel_loop3A_20 = arith.muli %parallel_loop3A_18, %parallel_loop3A_19 : i32
      %parallel_loop3A_21 = arith.index_cast %parallel_loop3A_20 : i32 to index
      %parallel_loop3A_22 = tpu.vector_load %arg8[%parallel_loop3A_21] {strides = array<i32>} : memref<512xf32, #tpu.memory_space<vmem>>, vector<16xf32>,
      %parallel_loop3A_23 = arith.constant 8 : i32
      %parallel_loop3A_24 = arith.divsi %parallel_loop3A_18, %parallel_loop3A_23 : i32
      %parallel_loop3A_25 = arith.constant 0 : i32
      %parallel_loop3A_26 = arith.cmpi sgt, %parallel_loop3A_18, %parallel_loop3A_25 : i32
      %parallel_loop3A_27 = arith.extui %parallel_loop3A_26 : i1 to i32
      %parallel_loop3A_28 = arith.constant 0 : i32
      %parallel_loop3A_29 = arith.cmpi slt, %parallel_loop3A_18, %parallel_loop3A_28 : i32
      %parallel_loop3A_30 = arith.extui %parallel_loop3A_29 : i1 to i32
      %parallel_loop3A_31 = arith.subi %parallel_loop3A_27, %parallel_loop3A_30 : i32
      %parallel_loop3A_32 = arith.constant 0 : i32
      %parallel_loop3A_33 = arith.cmpi sgt, %parallel_loop3A_23, %parallel_loop3A_32 : i32
      %parallel_loop3A_34 = arith.extui %parallel_loop3A_33 : i1 to i32
      %parallel_loop3A_35 = arith.constant 0 : i32
      %parallel_loop3A_36 = arith.cmpi slt, %parallel_loop3A_23, %parallel_loop3A_35 : i32
      %parallel_loop3A_37 = arith.extui %parallel_loop3A_36 : i1 to i32
      %parallel_loop3A_38 = arith.subi %parallel_loop3A_34, %parallel_loop3A_37 : i32
      %parallel_loop3A_39 = arith.cmpi ne, %parallel_loop3A_31, %parallel_loop3A_38 : i32
      %parallel_loop3A_40 = arith.remsi %parallel_loop3A_18, %parallel_loop3A_23 : i32
      %parallel_loop3A_41 = arith.constant 0 : i32
      %parallel_loop3A_42 = arith.cmpi ne, %parallel_loop3A_40, %parallel_loop3A_41 : i32
      %parallel_loop3A_43 = arith.andi %parallel_loop3A_39, %parallel_loop3A_42 : i1
      %parallel_loop3A_44 = arith.constant 1 : i32
      %parallel_loop3A_45 = arith.subi %parallel_loop3A_24, %parallel_loop3A_44 : i32
      %parallel_loop3A_46 = arith.select %parallel_loop3A_43, %parallel_loop3A_45, %parallel_loop3A_24 : i32
      %parallel_loop3A_47 = arith.constant 16 : i32
      %parallel_loop3A_48 = arith.muli %parallel_loop3A_47, %parallel_loop3A_46 : i32
      %parallel_loop3A_49 = arith.constant 10 : i32
      %parallel_loop3A_50 = arith.addi %parallel_loop3A_48, %parallel_loop3A_49 : i32
      %parallel_loop3A_51 = arith.constant 8 : i32
      %parallel_loop3A_52 = arith.constant 0 : i32
      %parallel_loop3A_53 = arith.cmpi eq, %parallel_loop3A_51, %parallel_loop3A_52 : i32
      %parallel_loop3A_54 = arith.constant 1 : i32
      %parallel_loop3A_55 = arith.select %parallel_loop3A_53, %parallel_loop3A_54, %parallel_loop3A_51 : i32
      %parallel_loop3A_56 = arith.remsi %parallel_loop3A_18, %parallel_loop3A_55 : i32
      %parallel_loop3A_57 = arith.constant 0 : i32
      %parallel_loop3A_58 = arith.cmpi ne, %parallel_loop3A_56, %parallel_loop3A_57 : i32
      %parallel_loop3A_59 = arith.constant 0 : i32
      %parallel_loop3A_60 = arith.cmpi slt, %parallel_loop3A_56, %parallel_loop3A_59 : i32
      %parallel_loop3A_61 = arith.constant 0 : i32
      %parallel_loop3A_62 = arith.cmpi slt, %parallel_loop3A_55, %parallel_loop3A_61 : i32
      %parallel_loop3A_63 = arith.xori %parallel_loop3A_60, %parallel_loop3A_62 : i1
      %parallel_loop3A_64 = arith.andi %parallel_loop3A_63, %parallel_loop3A_58 : i1
      %parallel_loop3A_65 = arith.addi %parallel_loop3A_56, %parallel_loop3A_55 : i32
      %parallel_loop3A_66 = arith.select %parallel_loop3A_64, %parallel_loop3A_65, %parallel_loop3A_56 : i32
      %parallel_loop3A_67 = arith.constant 16 : i32
      %parallel_loop3A_68 = arith.muli %parallel_loop3A_66, %parallel_loop3A_67 : i32
      %parallel_loop3A_69 = arith.index_cast %parallel_loop3A_50 : i32 to index
      %parallel_loop3A_70 = arith.index_cast %parallel_loop3A_68 : i32 to index
      %parallel_loop3A_71 = tpu.vector_load %arg9[%parallel_loop3A_69, %parallel_loop3A_70] {strides = array<i32>} : memref<64x128xf32, #tpu.memory_space<vmem>>, vector<16xf32>,
      tpu.vector_store %arg9[%parallel_loop3A_69, %parallel_loop3A_70], %parallel_loop3A_22 {strides = array<i32>} : memref<64x128xf32, #tpu.memory_space<vmem>>, vector<16xf32>,
    } {sc.loop_unroll_factor = 8 : i64, sc.parallel_access}
    %mul3A_14 = arith.constant 4 : i32
    %mul3A_15 = arith.muli %add3A, %mul3A_14 : i32
    %mul3A_16 = arith.constant 16 : i32
    %mul3A_17 = arith.muli %mul3A_15, %mul3A_16 : i32
    "tpu.region"() ({
      %run_scoped3A = tpu.sem_alloc : memref<!tpu.dma_semaphore, #tpu.memory_space<semaphore_mem>>
      %dma_start3A_18 = arith.constant 0 : i32
      %dma_start3A_19 = tpu.memref_slice %arg5[%mul3A_17, %dma_start3A_18] : memref<2048x128xf32, #tpu.memory_space<hbm>> -> memref<64x128xf32, #tpu.memory_space<hbm>>
      %dma_start3A_20 = arith.constant 0 : i32
      %dma_start3A_21 = tpu.memref_slice %arg5[%mul3A_17, %dma_start3A_20] : memref<2048x128xf32, #tpu.memory_space<hbm>> -> memref<64x128xf32, #tpu.memory_space<hbm>>
      tpu.enqueue_dma source(%arg9 : memref<64x128xf32, #tpu.memory_space<vmem>>) target(%dma_start3A_21 : memref<64x128xf32, #tpu.memory_space<hbm>>) target_semaphore(%run_scoped3A : memref<!tpu.dma_semaphore, #tpu.memory_space<semaphore_mem>>)
      %dma_wait3A_22 = arith.constant 0 : i32
      %dma_wait3A_23 = tpu.memref_slice %arg5[%mul3A_17, %dma_wait3A_22] : memref<2048x128xf32, #tpu.memory_space<hbm>> -> memref<64x128xf32, #tpu.memory_space<hbm>>
      %dma_wait3A_24 = arith.constant 0 : i32
      %dma_wait3A_25 = tpu.memref_slice %arg5[%mul3A_17, %dma_wait3A_24] : memref<2048x128xf32, #tpu.memory_space<hbm>> -> memref<64x128xf32, #tpu.memory_space<hbm>>
      tpu.wait_dma2 semaphore(%run_scoped3A : memref<!tpu.dma_semaphore, #tpu.memory_space<semaphore_mem>>) src(%arg9 : memref<64x128xf32, #tpu.memory_space<vmem>>) dst(%dma_wait3A_25 : memref<64x128xf32, #tpu.memory_space<hbm>>)
      tpu.yield
    }) : () -> ()
    return
  }
}

module attributes {stable_mosaic.version = 14 : i64} {
  func.func @_tc_body(%arg0: i32, %arg1: memref<1024x128xf32, #tpu.memory_space<vmem>>, %arg2: memref<26x11xf32, #tpu.memory_space<vmem>>, %arg3: memref<26x1xf32, #tpu.memory_space<vmem>>, %arg4: memref<26x8192xf32, #tpu.memory_space<vmem>>) attributes {dimension_semantics = [#tpu.dimension_semantics<arbitrary>], iteration_bounds = array<i64: 2>, scalar_prefetch = 0 : i64, scratch_operands = 0 : i64, tpu.core_type = #tpu.core_type<tc>, window_params = [{transform_indices = @transform_0, window_bounds = array<i64: 1024, 128>}, {pipeline_mode = #tpu.pipeline_mode<synchronous>, transform_indices = @transform_1, window_bounds = array<i64: 26, 11>}, {pipeline_mode = #tpu.pipeline_mode<synchronous>, transform_indices = @transform_2, window_bounds = array<i64: 26, 1>}, {transform_indices = @transform_3, window_bounds = array<i64: 26, 8192>}]} {
    %get3A = arith.constant 0 : index
    %get3A_0 = arith.constant 0 : index
    %get3A_1 = vector.load %arg1[%get3A, %get3A_0] : memref<1024x128xf32, #tpu.memory_space<vmem>>, vector<11x128xf32>
    %get3A_2 = arith.constant 16 : index
    %get3A_3 = arith.constant 0 : index
    %get3A_4 = vector.load %arg1[%get3A_2, %get3A_3] : memref<1024x128xf32, #tpu.memory_space<vmem>>, vector<11x128xf32>
    %get3A_5 = arith.constant 32 : index
    %get3A_6 = arith.constant 0 : index
    %get3A_7 = vector.load %arg1[%get3A_5, %get3A_6] : memref<1024x128xf32, #tpu.memory_space<vmem>>, vector<11x128xf32>
    %get3A_8 = arith.constant 48 : index
    %get3A_9 = arith.constant 0 : index
    %get3A_10 = vector.load %arg1[%get3A_8, %get3A_9] : memref<1024x128xf32, #tpu.memory_space<vmem>>, vector<11x128xf32>
    %get3A_11 = arith.constant 64 : index
    %get3A_12 = arith.constant 0 : index
    %get3A_13 = vector.load %arg1[%get3A_11, %get3A_12] : memref<1024x128xf32, #tpu.memory_space<vmem>>, vector<11x128xf32>
    %get3A_14 = arith.constant 80 : index
    %get3A_15 = arith.constant 0 : index
    %get3A_16 = vector.load %arg1[%get3A_14, %get3A_15] : memref<1024x128xf32, #tpu.memory_space<vmem>>, vector<11x128xf32>
    %get3A_17 = arith.constant 96 : index
    %get3A_18 = arith.constant 0 : index
    %get3A_19 = vector.load %arg1[%get3A_17, %get3A_18] : memref<1024x128xf32, #tpu.memory_space<vmem>>, vector<11x128xf32>
    %get3A_20 = arith.constant 112 : index
    %get3A_21 = arith.constant 0 : index
    %get3A_22 = vector.load %arg1[%get3A_20, %get3A_21] : memref<1024x128xf32, #tpu.memory_space<vmem>>, vector<11x128xf32>
    %get3A_23 = arith.constant 128 : index
    %get3A_24 = arith.constant 0 : index
    %get3A_25 = vector.load %arg1[%get3A_23, %get3A_24] : memref<1024x128xf32, #tpu.memory_space<vmem>>, vector<11x128xf32>
    %get3A_26 = arith.constant 144 : index
    %get3A_27 = arith.constant 0 : index
    %get3A_28 = vector.load %arg1[%get3A_26, %get3A_27] : memref<1024x128xf32, #tpu.memory_space<vmem>>, vector<11x128xf32>
    %get3A_29 = arith.constant 160 : index
    %get3A_30 = arith.constant 0 : index
    %get3A_31 = vector.load %arg1[%get3A_29, %get3A_30] : memref<1024x128xf32, #tpu.memory_space<vmem>>, vector<11x128xf32>
    %get3A_32 = arith.constant 176 : index
    %get3A_33 = arith.constant 0 : index
    %get3A_34 = vector.load %arg1[%get3A_32, %get3A_33] : memref<1024x128xf32, #tpu.memory_space<vmem>>, vector<11x128xf32>
    %get3A_35 = arith.constant 192 : index
    %get3A_36 = arith.constant 0 : index
    %get3A_37 = vector.load %arg1[%get3A_35, %get3A_36] : memref<1024x128xf32, #tpu.memory_space<vmem>>, vector<11x128xf32>
    %get3A_38 = arith.constant 208 : index
    %get3A_39 = arith.constant 0 : index
    %get3A_40 = vector.load %arg1[%get3A_38, %get3A_39] : memref<1024x128xf32, #tpu.memory_space<vmem>>, vector<11x128xf32>
    %get3A_41 = arith.constant 224 : index
    %get3A_42 = arith.constant 0 : index
    %get3A_43 = vector.load %arg1[%get3A_41, %get3A_42] : memref<1024x128xf32, #tpu.memory_space<vmem>>, vector<11x128xf32>
    %get3A_44 = arith.constant 240 : index
    %get3A_45 = arith.constant 0 : index
    %get3A_46 = vector.load %arg1[%get3A_44, %get3A_45] : memref<1024x128xf32, #tpu.memory_space<vmem>>, vector<11x128xf32>
    %get3A_47 = arith.constant 256 : index
    %get3A_48 = arith.constant 0 : index
    %get3A_49 = vector.load %arg1[%get3A_47, %get3A_48] : memref<1024x128xf32, #tpu.memory_space<vmem>>, vector<11x128xf32>
    %get3A_50 = arith.constant 272 : index
    %get3A_51 = arith.constant 0 : index
    %get3A_52 = vector.load %arg1[%get3A_50, %get3A_51] : memref<1024x128xf32, #tpu.memory_space<vmem>>, vector<11x128xf32>
    %get3A_53 = arith.constant 288 : index
    %get3A_54 = arith.constant 0 : index
    %get3A_55 = vector.load %arg1[%get3A_53, %get3A_54] : memref<1024x128xf32, #tpu.memory_space<vmem>>, vector<11x128xf32>
    %get3A_56 = arith.constant 304 : index
    %get3A_57 = arith.constant 0 : index
    %get3A_58 = vector.load %arg1[%get3A_56, %get3A_57] : memref<1024x128xf32, #tpu.memory_space<vmem>>, vector<11x128xf32>
    %get3A_59 = arith.constant 320 : index
    %get3A_60 = arith.constant 0 : index
    %get3A_61 = vector.load %arg1[%get3A_59, %get3A_60] : memref<1024x128xf32, #tpu.memory_space<vmem>>, vector<11x128xf32>
    %get3A_62 = arith.constant 336 : index
    %get3A_63 = arith.constant 0 : index
    %get3A_64 = vector.load %arg1[%get3A_62, %get3A_63] : memref<1024x128xf32, #tpu.memory_space<vmem>>, vector<11x128xf32>
    %get3A_65 = arith.constant 352 : index
    %get3A_66 = arith.constant 0 : index
    %get3A_67 = vector.load %arg1[%get3A_65, %get3A_66] : memref<1024x128xf32, #tpu.memory_space<vmem>>, vector<11x128xf32>
    %get3A_68 = arith.constant 368 : index
    %get3A_69 = arith.constant 0 : index
    %get3A_70 = vector.load %arg1[%get3A_68, %get3A_69] : memref<1024x128xf32, #tpu.memory_space<vmem>>, vector<11x128xf32>
    %get3A_71 = arith.constant 384 : index
    %get3A_72 = arith.constant 0 : index
    %get3A_73 = vector.load %arg1[%get3A_71, %get3A_72] : memref<1024x128xf32, #tpu.memory_space<vmem>>, vector<11x128xf32>
    %get3A_74 = arith.constant 400 : index
    %get3A_75 = arith.constant 0 : index
    %get3A_76 = vector.load %arg1[%get3A_74, %get3A_75] : memref<1024x128xf32, #tpu.memory_space<vmem>>, vector<11x128xf32>
    %get3A_77 = arith.constant 416 : index
    %get3A_78 = arith.constant 0 : index
    %get3A_79 = vector.load %arg1[%get3A_77, %get3A_78] : memref<1024x128xf32, #tpu.memory_space<vmem>>, vector<11x128xf32>
    %get3A_80 = arith.constant 432 : index
    %get3A_81 = arith.constant 0 : index
    %get3A_82 = vector.load %arg1[%get3A_80, %get3A_81] : memref<1024x128xf32, #tpu.memory_space<vmem>>, vector<11x128xf32>
    %get3A_83 = arith.constant 448 : index
    %get3A_84 = arith.constant 0 : index
    %get3A_85 = vector.load %arg1[%get3A_83, %get3A_84] : memref<1024x128xf32, #tpu.memory_space<vmem>>, vector<11x128xf32>
    %get3A_86 = arith.constant 464 : index
    %get3A_87 = arith.constant 0 : index
    %get3A_88 = vector.load %arg1[%get3A_86, %get3A_87] : memref<1024x128xf32, #tpu.memory_space<vmem>>, vector<11x128xf32>
    %get3A_89 = arith.constant 480 : index
    %get3A_90 = arith.constant 0 : index
    %get3A_91 = vector.load %arg1[%get3A_89, %get3A_90] : memref<1024x128xf32, #tpu.memory_space<vmem>>, vector<11x128xf32>
    %get3A_92 = arith.constant 496 : index
    %get3A_93 = arith.constant 0 : index
    %get3A_94 = vector.load %arg1[%get3A_92, %get3A_93] : memref<1024x128xf32, #tpu.memory_space<vmem>>, vector<11x128xf32>
    %get3A_95 = arith.constant 512 : index
    %get3A_96 = arith.constant 0 : index
    %get3A_97 = vector.load %arg1[%get3A_95, %get3A_96] : memref<1024x128xf32, #tpu.memory_space<vmem>>, vector<11x128xf32>
    %get3A_98 = arith.constant 528 : index
    %get3A_99 = arith.constant 0 : index
    %get3A_100 = vector.load %arg1[%get3A_98, %get3A_99] : memref<1024x128xf32, #tpu.memory_space<vmem>>, vector<11x128xf32>
    %get3A_101 = arith.constant 544 : index
    %get3A_102 = arith.constant 0 : index
    %get3A_103 = vector.load %arg1[%get3A_101, %get3A_102] : memref<1024x128xf32, #tpu.memory_space<vmem>>, vector<11x128xf32>
    %get3A_104 = arith.constant 560 : index
    %get3A_105 = arith.constant 0 : index
    %get3A_106 = vector.load %arg1[%get3A_104, %get3A_105] : memref<1024x128xf32, #tpu.memory_space<vmem>>, vector<11x128xf32>
    %get3A_107 = arith.constant 576 : index
    %get3A_108 = arith.constant 0 : index
    %get3A_109 = vector.load %arg1[%get3A_107, %get3A_108] : memref<1024x128xf32, #tpu.memory_space<vmem>>, vector<11x128xf32>
    %get3A_110 = arith.constant 592 : index
    %get3A_111 = arith.constant 0 : index
    %get3A_112 = vector.load %arg1[%get3A_110, %get3A_111] : memref<1024x128xf32, #tpu.memory_space<vmem>>, vector<11x128xf32>
    %get3A_113 = arith.constant 608 : index
    %get3A_114 = arith.constant 0 : index
    %get3A_115 = vector.load %arg1[%get3A_113, %get3A_114] : memref<1024x128xf32, #tpu.memory_space<vmem>>, vector<11x128xf32>
    %get3A_116 = arith.constant 624 : index
    %get3A_117 = arith.constant 0 : index
    %get3A_118 = vector.load %arg1[%get3A_116, %get3A_117] : memref<1024x128xf32, #tpu.memory_space<vmem>>, vector<11x128xf32>
    %get3A_119 = arith.constant 640 : index
    %get3A_120 = arith.constant 0 : index
    %get3A_121 = vector.load %arg1[%get3A_119, %get3A_120] : memref<1024x128xf32, #tpu.memory_space<vmem>>, vector<11x128xf32>
    %get3A_122 = arith.constant 656 : index
    %get3A_123 = arith.constant 0 : index
    %get3A_124 = vector.load %arg1[%get3A_122, %get3A_123] : memref<1024x128xf32, #tpu.memory_space<vmem>>, vector<11x128xf32>
    %get3A_125 = arith.constant 672 : index
    %get3A_126 = arith.constant 0 : index
    %get3A_127 = vector.load %arg1[%get3A_125, %get3A_126] : memref<1024x128xf32, #tpu.memory_space<vmem>>, vector<11x128xf32>
    %get3A_128 = arith.constant 688 : index
    %get3A_129 = arith.constant 0 : index
    %get3A_130 = vector.load %arg1[%get3A_128, %get3A_129] : memref<1024x128xf32, #tpu.memory_space<vmem>>, vector<11x128xf32>
    %get3A_131 = arith.constant 704 : index
    %get3A_132 = arith.constant 0 : index
    %get3A_133 = vector.load %arg1[%get3A_131, %get3A_132] : memref<1024x128xf32, #tpu.memory_space<vmem>>, vector<11x128xf32>
    %get3A_134 = arith.constant 720 : index
    %get3A_135 = arith.constant 0 : index
    %get3A_136 = vector.load %arg1[%get3A_134, %get3A_135] : memref<1024x128xf32, #tpu.memory_space<vmem>>, vector<11x128xf32>
    %get3A_137 = arith.constant 736 : index
    %get3A_138 = arith.constant 0 : index
    %get3A_139 = vector.load %arg1[%get3A_137, %get3A_138] : memref<1024x128xf32, #tpu.memory_space<vmem>>, vector<11x128xf32>
    %get3A_140 = arith.constant 752 : index
    %get3A_141 = arith.constant 0 : index
    %get3A_142 = vector.load %arg1[%get3A_140, %get3A_141] : memref<1024x128xf32, #tpu.memory_space<vmem>>, vector<11x128xf32>
    %get3A_143 = arith.constant 768 : index
    %get3A_144 = arith.constant 0 : index
    %get3A_145 = vector.load %arg1[%get3A_143, %get3A_144] : memref<1024x128xf32, #tpu.memory_space<vmem>>, vector<11x128xf32>
    %get3A_146 = arith.constant 784 : index
    %get3A_147 = arith.constant 0 : index
    %get3A_148 = vector.load %arg1[%get3A_146, %get3A_147] : memref<1024x128xf32, #tpu.memory_space<vmem>>, vector<11x128xf32>
    %get3A_149 = arith.constant 800 : index
    %get3A_150 = arith.constant 0 : index
    %get3A_151 = vector.load %arg1[%get3A_149, %get3A_150] : memref<1024x128xf32, #tpu.memory_space<vmem>>, vector<11x128xf32>
    %get3A_152 = arith.constant 816 : index
    %get3A_153 = arith.constant 0 : index
    %get3A_154 = vector.load %arg1[%get3A_152, %get3A_153] : memref<1024x128xf32, #tpu.memory_space<vmem>>, vector<11x128xf32>
    %get3A_155 = arith.constant 832 : index
    %get3A_156 = arith.constant 0 : index
    %get3A_157 = vector.load %arg1[%get3A_155, %get3A_156] : memref<1024x128xf32, #tpu.memory_space<vmem>>, vector<11x128xf32>
    %get3A_158 = arith.constant 848 : index
    %get3A_159 = arith.constant 0 : index
    %get3A_160 = vector.load %arg1[%get3A_158, %get3A_159] : memref<1024x128xf32, #tpu.memory_space<vmem>>, vector<11x128xf32>
    %get3A_161 = arith.constant 864 : index
    %get3A_162 = arith.constant 0 : index
    %get3A_163 = vector.load %arg1[%get3A_161, %get3A_162] : memref<1024x128xf32, #tpu.memory_space<vmem>>, vector<11x128xf32>
    %get3A_164 = arith.constant 880 : index
    %get3A_165 = arith.constant 0 : index
    %get3A_166 = vector.load %arg1[%get3A_164, %get3A_165] : memref<1024x128xf32, #tpu.memory_space<vmem>>, vector<11x128xf32>
    %get3A_167 = arith.constant 896 : index
    %get3A_168 = arith.constant 0 : index
    %get3A_169 = vector.load %arg1[%get3A_167, %get3A_168] : memref<1024x128xf32, #tpu.memory_space<vmem>>, vector<11x128xf32>
    %get3A_170 = arith.constant 912 : index
    %get3A_171 = arith.constant 0 : index
    %get3A_172 = vector.load %arg1[%get3A_170, %get3A_171] : memref<1024x128xf32, #tpu.memory_space<vmem>>, vector<11x128xf32>
    %get3A_173 = arith.constant 928 : index
    %get3A_174 = arith.constant 0 : index
    %get3A_175 = vector.load %arg1[%get3A_173, %get3A_174] : memref<1024x128xf32, #tpu.memory_space<vmem>>, vector<11x128xf32>
    %get3A_176 = arith.constant 944 : index
    %get3A_177 = arith.constant 0 : index
    %get3A_178 = vector.load %arg1[%get3A_176, %get3A_177] : memref<1024x128xf32, #tpu.memory_space<vmem>>, vector<11x128xf32>
    %get3A_179 = arith.constant 960 : index
    %get3A_180 = arith.constant 0 : index
    %get3A_181 = vector.load %arg1[%get3A_179, %get3A_180] : memref<1024x128xf32, #tpu.memory_space<vmem>>, vector<11x128xf32>
    %get3A_182 = arith.constant 976 : index
    %get3A_183 = arith.constant 0 : index
    %get3A_184 = vector.load %arg1[%get3A_182, %get3A_183] : memref<1024x128xf32, #tpu.memory_space<vmem>>, vector<11x128xf32>
    %get3A_185 = arith.constant 992 : index
    %get3A_186 = arith.constant 0 : index
    %get3A_187 = vector.load %arg1[%get3A_185, %get3A_186] : memref<1024x128xf32, #tpu.memory_space<vmem>>, vector<11x128xf32>
    %get3A_188 = arith.constant 1008 : index
    %get3A_189 = arith.constant 0 : index
    %get3A_190 = vector.load %arg1[%get3A_188, %get3A_189] : memref<1024x128xf32, #tpu.memory_space<vmem>>, vector<11x128xf32>
    %concatenate3A = tpu.concatenate %get3A_1, %get3A_4, %get3A_7, %get3A_10, %get3A_13, %get3A_16, %get3A_19, %get3A_22, %get3A_25, %get3A_28, %get3A_31, %get3A_34, %get3A_37, %get3A_40, %get3A_43, %get3A_46, %get3A_49, %get3A_52, %get3A_55, %get3A_58, %get3A_61, %get3A_64, %get3A_67, %get3A_70, %get3A_73, %get3A_76, %get3A_79, %get3A_82, %get3A_85, %get3A_88, %get3A_91, %get3A_94, %get3A_97, %get3A_100, %get3A_103, %get3A_106, %get3A_109, %get3A_112, %get3A_115, %get3A_118, %get3A_121, %get3A_124, %get3A_127, %get3A_130, %get3A_133, %get3A_136, %get3A_139, %get3A_142, %get3A_145, %get3A_148, %get3A_151, %get3A_154, %get3A_157, %get3A_160, %get3A_163, %get3A_166, %get3A_169, %get3A_172, %get3A_175, %get3A_178, %get3A_181, %get3A_184, %get3A_187, %get3A_190 in 1 : vector<11x128xf32>, vector<11x128xf32>, vector<11x128xf32>, vector<11x128xf32>, vector<11x128xf32>, vector<11x128xf32>, vector<11x128xf32>, vector<11x128xf32>, vector<11x128xf32>, vector<11x128xf32>, vector<11x128xf32>, vector<11x128xf32>, vector<11x128xf32>, vector<11x128xf32>, vector<11x128xf32>, vector<11x128xf32>, vector<11x128xf32>, vector<11x128xf32>, vector<11x128xf32>, vector<11x128xf32>, vector<11x128xf32>, vector<11x128xf32>, vector<11x128xf32>, vector<11x128xf32>, vector<11x128xf32>, vector<11x128xf32>, vector<11x128xf32>, vector<11x128xf32>, vector<11x128xf32>, vector<11x128xf32>, vector<11x128xf32>, vector<11x128xf32>, vector<11x128xf32>, vector<11x128xf32>, vector<11x128xf32>, vector<11x128xf32>, vector<11x128xf32>, vector<11x128xf32>, vector<11x128xf32>, vector<11x128xf32>, vector<11x128xf32>, vector<11x128xf32>, vector<11x128xf32>, vector<11x128xf32>, vector<11x128xf32>, vector<11x128xf32>, vector<11x128xf32>, vector<11x128xf32>, vector<11x128xf32>, vector<11x128xf32>, vector<11x128xf32>, vector<11x128xf32>, vector<11x128xf32>, vector<11x128xf32>, vector<11x128xf32>, vector<11x128xf32>, vector<11x128xf32>, vector<11x128xf32>, vector<11x128xf32>, vector<11x128xf32>, vector<11x128xf32>, vector<11x128xf32>, vector<11x128xf32>, vector<11x128xf32> -> vector<11x8192xf32>
    %get3A_191 = arith.constant 0 : index
    %get3A_192 = arith.constant 0 : index
    %get3A_193 = vector.load %arg2[%get3A_191, %get3A_192] : memref<26x11xf32, #tpu.memory_space<vmem>>, vector<26x11xf32>
    %dot_general3A = arith.constant dense<0.000000e+00> : vector<26x8192xf32>
    %dot_general3A_194 = tpu.matmul %get3A_193, %concatenate3A, %dot_general3A {dimension_numbers = #tpu.dot_dimension_numbers<[1], [0], [0], [1], [0, 0, 1, 1], [], []>, transpose_lhs_hint = false} : vector<26x11xf32>, vector<11x8192xf32>, vector<26x8192xf32> -> vector<26x8192xf32>
    %get3A_195 = arith.constant 0 : index
    %get3A_196 = arith.constant 0 : index
    %get3A_197 = vector.load %arg3[%get3A_195, %get3A_196] : memref<26x1xf32, #tpu.memory_space<vmem>>, vector<26x1xf32>
    %add3A = vector.broadcast %get3A_197 : vector<26x1xf32> to vector<26x8192xf32>
    %add3A_198 = arith.addf %dot_general3A_194, %add3A : vector<26x8192xf32>
    %reduce_max3A = arith.constant dense<0xFF800000> : vector<8192xf32>
    %reduce_max3A_199 = vector.multi_reduction <maximumf>, %add3A_198, %reduce_max3A [0] : vector<26x8192xf32> to vector<8192xf32>
    %broadcast_in_dim3A = vector.shape_cast %reduce_max3A_199 : vector<8192xf32> to vector<1x8192xf32>
    %sub3A = vector.broadcast %broadcast_in_dim3A : vector<1x8192xf32> to vector<26x8192xf32>
    %sub3A_200 = arith.subf %add3A_198, %sub3A : vector<26x8192xf32>
    %exp3A = math.exp %sub3A_200 : vector<26x8192xf32>
    %reduce_sum3A = arith.constant dense<0.000000e+00> : vector<8192xf32>
    %reduce_sum3A_201 = vector.multi_reduction <add>, %exp3A, %reduce_sum3A [0] : vector<26x8192xf32> to vector<8192xf32>
    %broadcast_in_dim3A_202 = vector.shape_cast %reduce_sum3A_201 : vector<8192xf32> to vector<1x8192xf32>
    %sub3A_203 = vector.broadcast %broadcast_in_dim3A : vector<1x8192xf32> to vector<26x8192xf32>
    %sub3A_204 = arith.subf %add3A_198, %sub3A_203 : vector<26x8192xf32>
    %log3A = math.log %broadcast_in_dim3A_202 : vector<1x8192xf32>
    %sub3A_205 = vector.broadcast %log3A : vector<1x8192xf32> to vector<26x8192xf32>
    %sub3A_206 = arith.subf %sub3A_204, %sub3A_205 : vector<26x8192xf32>
    %swap3A = arith.constant 0 : index
    %swap3A_207 = arith.constant 0 : index
    %swap3A_208 = vector.load %arg4[%swap3A, %swap3A_207] : memref<26x8192xf32, #tpu.memory_space<vmem>>, vector<26x8192xf32>
    tpu.vector_store %arg4[%swap3A, %swap3A_207], %sub3A_206 {strides = array<i32>} : memref<26x8192xf32, #tpu.memory_space<vmem>>, vector<26x8192xf32>,
    return
  }
  func.func @transform_0(%arg0: i32) -> (i32, i32) {
    %c0_i32 = arith.constant 0 : i32
    %c0_i32_0 = arith.constant 0 : i32
    return %arg0, %c0_i32 : i32, i32
  }
  func.func @transform_1(%arg0: i32) -> (i32, i32) {
    %c0_i32 = arith.constant 0 : i32
    %c0_i32_0 = arith.constant 0 : i32
    %c0_i32_1 = arith.constant 0 : i32
    return %c0_i32, %c0_i32_0 : i32, i32
  }
  func.func @transform_2(%arg0: i32) -> (i32, i32) {
    %c0_i32 = arith.constant 0 : i32
    %c0_i32_0 = arith.constant 0 : i32
    %c0_i32_1 = arith.constant 0 : i32
    return %c0_i32, %c0_i32_0 : i32, i32
  }
  func.func @transform_3(%arg0: i32) -> (i32, i32) {
    %c0_i32 = arith.constant 0 : i32
    %c0_i32_0 = arith.constant 0 : i32
    return %c0_i32, %arg0 : i32, i32
  }
}

</mosaic_0001>

<sc_bundles>
// kernel: kernel.4.cloned.1.call-start
scs
__scs_entry_jumppad:
0x0: {  	(pc) =	sbr.rel $0x88, $3  }
0x1: {  	(tag) =	ssettag $0x0;
	lr =	simm.s32 $0x1  }
0x2: {  	[smem:$0x3F9C] =	sst lr;
	_ =	strace $0xD0000000  }
0x3: {  	_ = 	snop  }
0x4: {  	_ = 	snop  }
0x5: {  	_ = 	snop  }
0x6: {  	_ = 	snop  }
0x7: {  	_ = 	snop  }
__scs_overlays_trampoline_lowered:
0x8: {  	[smem:$0x3FAB] =	sst s0  }
0x9: {  	[smem:$0x3FAC] =	sst s1  }
0xa: {  	[smem:$0x3FAD] =	sst s2  }
0xb: {  	[smem:$0x3FAE] =	sst s3  }
0xc: {  	[smem:$0x3FAF] =	sst s4  }
0xd: {  	[smem:$0x3FB0] =	sst s5  }
0xe: {  	[smem:$0x3FB1] =	sst s6  }
0xf: {  	[smem:$0x3FB2] =	sst s7  }
0x10: {  	[smem:$0x3FB3] =	sst s8  }
0x11: {  	[smem:$0x3FB4] =	sst s9;
	s0 =	simm.s32 @!p0 $0x0  }
0x12: {  	s1 =	sld [smem:$0x3F9A];
	s0 =	simm.s32 @p0 $0x1  }
0x13: {  	[smem:$0x3FB5] =	sst s0;
	s0 =	simm.s32 @!p1 $0x0  }
0x14: {  	s2 =	sld [smem:$0x3F99];
	s0 =	simm.s32 @p1 $0x1  }
0x15: {  	[smem:$0x3FB6] =	sst s0;
	s0 =	simm.s32 @!p2 $0x0  }
0x16: {  	s3 =	sld [smem:$0x3FDB];
	s0 =	simm.s32 @p2 $0x1  }
0x17: {  	s4 =	simm.s32 $0x1BF5;
	[smem:$0x3FB8] =	sst s0  }
0x18: {  	s0 =	sld [smem:$0x3F9B];
	_ =	swait.ge [sflag:s4], $0x0  }
0x19: {  	s7 =	sld [smem:$0x3F9C]  }
0x1a: {  	s8 =	sadd.s32 $0xFFFFE003, lr  }
0x1b: {  	s9 =	sadd.s32 $0xFFFFFEF7, lr;
	s5 =	simm.s32 $0xFFFFFFFF;
	p2 =	slt.u32 s8, $0xFFFFF086  }
0x1c: {  	p1 =	slt.u32 s9, $0xF7A;
	s5 =	simm.s32 @!p2 $0x0  }
0x1d: {  	s5 =	simm.s32 @p1 $0x1;
	p0 =	seq.s32 s7, s2  }
0x1e: {  	s7 =	smul.u32 @!p0 $0xF7A, s2;
	p2 =	seq.s32 @!p0 s5, $0x0  }
0x1f: {  	s9 =	smul.u32 $0xF7A, s1;
	s8 =	simm.s32 @!p0 $0x1BF5;
	p2 =	por !p2, p0  }
0x20: {  	[sflag:s8] =	ssyncset.s32 @!p0 $0xFFFFF086;
	s6 =	sadd.s32 @!p0 s3, s7;
	s7 =	simm.s32 @!p0 $0x108  }
0x21: {  	s3 =	sadd.s32 s3, s9;
	s6 =	sadd.s32 @!p0 $0x88, s6;
	s7 =	simm.s32 @p2 $0x1082  }
0x22: {  	[simem:s7], [sflag:s8] =	dma.local @!p0 [hbm:s6], $0xF7A  }
0x23: {  	s9 =	sor.u32 $0xD0000000, s2;
	s6 =	simm.s32 $0x108;
	_ =	swait.ge @!p0 [sflag:s8], $0x0  }
0x24: {  	s3 =	sadd.s32 $0x88, s3;
	s6 =	simm.s32 @!p1 $0x1082;
	[sflag:s4] =	ssyncset.s32 $0xFFFFF086  }
0x25: {  	[simem:s6], [sflag:s4] =	dma.local [hbm:s3], $0xF7A  }
0x26: {  	[smem:$0x3F9C] =	sst s1;
	(tag) =	ssettag s2;
	_ =	strace s9  }
0x27: {  	s1 =	sld [smem:$0x3FAC]  }
0x28: {  	s2 =	sld [smem:$0x3FAD]  }
0x29: {  	s4 =	sld [smem:$0x3FAF]  }
0x2a: {  	p0 =	seq.s32 s5, $0x0;
	s5 =	sld [smem:$0x3FB0]  }
0x2b: {  	s6 =	sld [smem:$0x3FB1]  }
0x2c: {  	s7 =	sld [smem:$0x3FB2]  }
0x2d: {  	s3 =	simm.s32 $0x108;
	s8 =	sld [smem:$0x3FB3]  }
0x2e: {  	s3 =	simm.s32 @!p0 $0x1082;
	s9 =	sld [smem:$0x3FB4]  }
0x2f: {  	lr =	sadd.s32 s0, s3;
	s0 =	sld [smem:$0x3FAB]  }
0x30: {  	s3 =	sld [smem:$0x3FAE]  }
0x31: {  	[smem:$0x3FB7] =	sst s10  }
0x32: {  	s10 =	sld [smem:$0x3FB5];
	_ =	sdelay $0x3  }
0x33: {  	p0 =	seq.s32 s10, $0x1;
	s10 =	sld [smem:$0x3FB7];
	_ =	sdelay $0x3  }
0x34: {  	[smem:$0x3FB7] =	sst s10  }
0x35: {  	s10 =	sld [smem:$0x3FB6];
	_ =	sdelay $0x3  }
0x36: {  	p1 =	seq.s32 s10, $0x1;
	s10 =	sld [smem:$0x3FB7];
	_ =	sdelay $0x3  }
0x37: {  	[smem:$0x3FB7] =	sst s10  }
0x38: {  	s10 =	sld [smem:$0x3FB8]  }
0x39: {  	_ = 	snop;
	(pc) =	sbr.ind lr, $3  }
0x3a: {  	_ = 	snop  }
0x3b: {  	_ = 	snop  }
0x3c: {  	p2 =	seq.s32 s10, $0x1;
	s10 =	sld [smem:$0x3FB7]  }
0x3d: {  	_ =	shalt  }
0x3e: {  	_ =	shalt  }
0x3f: {  	_ =	shalt  }
0x40: {  	_ =	shalt  }
0x41: {  	_ =	shalt  }
0x42: {  	_ =	shalt  }
0x43: {  	_ =	shalt  }
0x44: {  	_ =	shalt  }
0x45: {  	_ =	shalt  }
0x46: {  	_ =	shalt  }
0x47: {  	_ =	shalt  }
0x48: {  	_ =	shalt  }
0x49: {  	_ =	shalt  }
0x4a: {  	_ =	shalt  }
0x4b: {  	_ =	shalt  }
0x4c: {  	_ =	shalt  }
0x4d: {  	_ =	shalt  }
0x4e: {  	_ =	shalt  }
0x4f: {  	_ =	shalt  }
0x50: {  	_ =	shalt  }
0x51: {  	_ =	shalt  }
0x52: {  	_ =	shalt  }
0x53: {  	_ =	shalt  }
0x54: {  	_ =	shalt  }
0x55: {  	_ =	shalt  }
0x56: {  	_ =	shalt  }
0x57: {  	_ =	shalt  }
0x58: {  	_ =	shalt  }
0x59: {  	_ =	shalt  }
0x5a: {  	_ =	shalt  }
0x5b: {  	_ =	shalt  }
0x5c: {  	_ =	shalt  }
0x5d: {  	_ =	shalt  }
0x5e: {  	_ =	shalt  }
0x5f: {  	_ =	shalt  }
0x60: {  	_ =	shalt  }
0x61: {  	_ =	shalt  }
0x62: {  	_ =	shalt  }
0x63: {  	_ =	shalt  }
0x64: {  	_ =	shalt  }
0x65: {  	_ =	shalt  }
0x66: {  	_ =	shalt  }
0x67: {  	_ =	shalt  }
0x68: {  	_ =	shalt  }
0x69: {  	_ =	shalt  }
0x6a: {  	_ =	shalt  }
0x6b: {  	_ =	shalt  }
0x6c: {  	_ =	shalt  }
0x6d: {  	_ =	shalt  }
0x6e: {  	_ =	shalt  }
0x6f: {  	_ =	shalt  }
0x70: {  	_ =	shalt  }
0x71: {  	_ =	shalt  }
0x72: {  	_ =	shalt  }
0x73: {  	_ =	shalt  }
0x74: {  	_ =	shalt  }
0x75: {  	_ =	shalt  }
0x76: {  	_ =	shalt  }
0x77: {  	_ =	shalt  }
0x78: {  	_ =	shalt  }
0x79: {  	_ =	shalt  }
0x7a: {  	_ =	shalt  }
0x7b: {  	_ =	shalt  }
0x7c: {  	_ =	shalt  }
0x7d: {  	_ =	shalt  }
0x7e: {  	_ =	shalt  }
0x7f: {  	_ =	shalt  }
0x80: {  	_ =	shalt  }
0x81: {  	_ =	shalt  }
0x82: {  	_ =	shalt  }
0x83: {  	_ =	shalt  }
0x84: {  	_ =	shalt  }
0x85: {  	_ =	shalt  }
0x86: {  	_ =	shalt  }
0x87: {  	_ =	shalt  }
.Lfunc_end0:
.L_simem_size_0:
called_computation_lowered:
.L_overlay_start_0:
0x88: {  	s2 =	sld [smem:$0x3FD9]  }
0x89: {  	s3 =	sld [smem:$0x3FFE];
	_ =	sdelay $0x1  }
0x8a: {  	s1 =	srdreg.scid  }
0x8b: {  	s0 =	sand.u32 $0x1, s1  }
0x8c: {  	s17 =	sshll.u32 s0, $0xA;
	s2 =	sadd.s32 s3, s2  }
0x8d: {  	s2 =	sadd.s32 s2, s17  }
0x8e: {  	[smem:$0x3FC3] =	sst s2  }
0x8f: {  	_ = 	snop  }
0x90: {  	s2 =	sld [smem:$0x3FC9]  }
0x91: {  	s18 =	sld [smem:$0x3FC8]  }
0x92: {  	s4 =	sld [smem:$0x3FD0];
	(tm) =	ssettm $0x1  }
0x93: {  	s5 =	sld [smem:$0x3FFB];
	_ =	sdelay $0x3  }
0x94: {  	_ =	strace s5  }
0x95: {  	s5 =	sld [smem:$0x3FFC];
	_ =	sdelay $0x3  }
0x96: {  	_ =	strace s5  }
0x97: {  	s5 =	sld [smem:$0x3FFD];
	_ =	sdelay $0x3  }
0x98: {  	_ =	strace s5  }
0x99: {  	_ =	strace $0x8FFFFFFF  }
0x9a: {  	s19 =	sld [smem:$0x3FDB];
	_ =	sdelay $0x1  }
0x9b: {  	s6 =	simm.s32 $_scs_section_size  }
0x9c: {  	s7 =	simm.s32 $_size__tile_overlayer_lowered;
	s8 =	simm.s32 $_tile_overlayer_lowered  }
0x9d: {  	s22 =	simm.s32 $0x1BFF;
	s21 =	sshll.u32 s8, $0x1;
	s5 =	sadd.s32 s6, s19  }
0x9e: {  	s9 =	simm.s32 $0x0;
	s20 =	sshll.u32 s7, $0x1;
	s7 =	sadd.s32 s21, s5  }
0x9f: {  	[timem:s9], [sflag:s22] =	dma.local [hbm:s7], s20  }
0xa0: {  	_ =	swait.ge [sflag:s22], s20  }
0xa1: {  	s6 =	ssub.s32 $0x0, s20;
	[sflag:s22] =	ssyncset.done $0x0  }
0xa2: {  	[sflag:s22] =	ssyncadd.s32 s6;
	_ =	sdelay $0x1  }
0xa3: {  	s23 =	simm.s32 $0x1B8B  }
0xa4: {  	_ =	swait.ge [sflag:s23], $0x1  }
0xa5: {  	[sflag:s23] =	ssyncset.done $0x0  }
0xa6: {  	s25 =	simm.s32 $0x1B8E;
	s24 =	sld [smem:$0x3FFE];
	[sflag:s23] =	ssyncadd.s32 $0xFFFFFFFF  }
0xa7: {  	s26 =	simm.s32 $execute0_lowered;
	[smem:$0x3FD2] =	sst s25  }
0xa8: {  	s7 =	sshll.u32 s26, $0x1;
	_ =	strace $0x80000046;
	[dreg:$0x1] =	wrdreg $0xFFFFFFFF  }
0xa9: {  	s28 =	simm.s32 $_size_execute0_lowered;
	s5 =	sadd.s32 s5, s7;
	[dreg:$0x0] =	wrdreg $0x0  }
0xaa: {  	s7 =	sshll.u32 s28, $0x1;
	[dreg:$0x2] =	wrdreg s5  }
0xab: {  	[dreg:$0x3] =	wrdreg s7  }
0xac: {  	[dreg:$0x4] =	wrdreg $0xC0  }
0xad: {  	_ =	task [dreg:s9], $0x5FFFF  }
0xae: {  	[dreg:$0x1] =	wrdreg $0xFFFFFFFF  }
0xaf: {  	[dreg:$0x0] =	wrdreg $0x60  }
0xb0: {  	[dreg:$0x2] =	wrdreg s24  }
0xb1: {  	[dreg:$0x3] =	wrdreg s2  }
0xb2: {  	[dreg:$0x4] =	wrdreg s18  }
0xb3: {  	[dreg:$0x5] =	wrdreg s4  }
0xb4: {  	[dreg:$0x6] =	wrdreg $0x9  }
0xb5: {  	_ =	task.clear_ibuf [dreg:s9], $0x7FFFF;
	_ =	strace $0x90000046  }
0xb6: {  	s29 =	simm.s32 $0x9;
	_ =	strace $0x80000048  }
0xb7: {  	_ =	swait.ge [sflag:s29], $0x1  }
0xb8: {  	[sflag:s29] =	ssyncadd.s32 $0xFFFFFFFF  }
0xb9: {  	_ =	strace $0x90000048  }
0xba: {  	_ =	sfence  }
0xbb: {  	s30 =	sld [smem:$0x0];
	_ =	sdelay $0x2  }
0xbc: {  	s31 =	sshll.u32 s1, $0xD;
	s1 =	sshrl.u32 s1, $0x2  }
0xbd: {  	s3 =	sand.u32 $0x4000, s31;
	s1 =	sadd.s32 s1, s30  }
0xbe: {  	s0 =	sor.u32 s3, s0;
	s1 =	sshll.u32 s1, $0x11  }
0xbf: {  	s0 =	sor.u32 s1, s0  }
0xc0: {  	s0 =	sadd.s32 $0x8F2B, s0  }
0xc1: {  	[sflag:s0] =	ssyncadd.remote.s32 $0x1  }
0xc2: {  	_ =	sfence.sel $0xFFFF  }
0xc3: {  	[dreg:$0x0] =	wrdreg $0xFFFFFFFF;
	(pc) =	sbr.abs _section_cstart, $3  }
0xc4: {  	[dreg:$0x1] =	wrdreg $0xFFFFFFFF  }
0xc5: {  	_ =	task.clear_ibuf [dreg:s9], $0x2FFFF;
	_ =	strace $0x9FFFFFFF  }
0xc6: {  	(tm) =	ssettm $0x7FFFFFFF  }
0xc7: {  	_ =	shalt  }
tec
execute0_lowered:
.L_overlay_start_1:
0x0: {  	(tag) =	ssettag $0x1  }
0x1: {  	s3 =	rddreg [dreg:$0x0]  }
0x2: {  	s4 =	rddreg [dreg:$0x1]  }
0x3: {  	s5 =	rddreg [dreg:$0x2]  }
0x4: {  	s6 =	rddreg [dreg:$0x3]  }
0x5: {  	s0 =	rddreg [dreg:$0x4]  }
0x6: {  	s2 =	simm.s32 $0x0;
	s7 =	srdreg.scid;
	s1 =	stileid.u32  }
0x7: {  	s11 =	simm.s32 $0x600;
	s12 =	simm.s32 $0x2;
	s13 =	simm.s32 $0x0  }
0x8: {  	[smem:$0x7FF] =	sst s2;
	s7 =	sand.u32 $0x1, s7;
	s8 =	sshll.u32 s1, $0x1  }
0x9: {  	s3 =	sadd.s32 $0xA00, s3;
	s9 =	ssub.s32 $0x2, s7;
	s7 =	sor.u32 s7, s8  }
0xa: {  	_ =	strace $0x80000047;
	s31 =	sshrl.u32 s9, $0x1;
	s10 =	sshll.u32 s7, $0x6  }
0xb: {  	s7 =	sshll.u32 s7, $0xA;
	s8 =	ssub.s32 s9, s31;
	s4 =	sadd.s32 s4, s10  }
0xc: {  	s5 =	sadd.s32 s5, s10;
	s6 =	sadd.s32 s6, s7;
	s9 =	simm.s32 $0x400  }
0xd: {  	s10 =	simm.s32 $0x1;
	s7 =	smax.u32 s8, $0x1;
	s8 =	simm.s32 $0x200  }
.LBB2_1:
0xe: {  	[tilespmem:s2], [sflag:$0x1] =	stream.linear.gather [hbm4b:s3+s2], $0x200, $0x38;
	[tilespmem:$0x2600] =	vst v63  }
0xf: {  	_ = 	snop  }
0x10: {  	[tilespmem:s8], [sflag:$0x1] =	stream.linear.gather [hbm4b:s4+s2], $0x200, $0x38;
	[tilespmem:$0x2600] =	vst v63  }
0x11: {  	_ = 	snop  }
0x12: {  	[tilespmem:s9], [sflag:$0x1] =	stream.linear.gather [hbm4b:s5+s2], $0x200, $0x38;
	[tilespmem:$0x2600] =	vst v63  }
0x13: {  	_ =	swait.ge [sflag:s10], $0x200  }
0x14: {  	[sflag:s10] =	ssyncset.done $0x0  }
0x15: {  	[sflag:s10] =	ssyncadd.s32 $0xFFFFFE00  }
0x16: {  	_ =	swait.ge [sflag:s10], $0x200  }
0x17: {  	[sflag:s10] =	ssyncset.done $0x0  }
0x18: {  	s14 =	simm.s32 $0x220;
	[sflag:s10] =	ssyncadd.s32 $0xFFFFFE00  }
0x19: {  	v0 =	vld [tilespmem:s14+$0x10]  }
0x1a: {  	v1 =	vld [tilespmem:s14+$0xFFFFFFF0]  }
0x1b: {  	v2 =	vld [tilespmem:s14+$0x0]  }
0x1c: {  	v3 =	vld [tilespmem:s14+$0xFFFFFFE0];
	_ =	sdelay $0x1  }
0x1d: {  	v4 =	vshll.u32 v0, $0x4  }
0x1e: {  	v1 =	vshll.u32 v1, $0x4  }
0x1f: {  	v2 =	vshll.u32 v2, $0x4  }
0x20: {  	v3 =	vshll.u32 v3, $0x4;
	_ =	sdelay $0x1  }
0x21: {  	v0 =	vld.idx.msk [tilespmem:v4+s2+$0x0], $0xffff  }
0x22: {  	s22 =	sand.u32 $0x6000, s2;
	v5 =	vor.u32 $0x1, v4;
	v6 =	vld.idx.msk [tilespmem:v1+s2+$0x0], $0xffff  }
0x23: {  	s15 =	simm.s32 $0x30;
	s14 =	sshrl.u32 s22, $0x2;
	v7 =	vor.u32 $0x1, v1;
	v8 =	vld.idx.msk [tilespmem:v2+s2+$0x0], $0xffff  }
0x24: {  	s24 =	simm.s32 $0x10;
	s23 =	sand.u32 $0x70, s15;
	s17 =	sor.u32 $0x600, s14;
	v9 =	vor.u32 $0x1, v2;
	v10 =	vld.idx.msk [tilespmem:v3+s2+$0x0], $0xffff  }
0x25: {  	s25 =	simm.s32 $0x20;
	s15 =	sand.u32 $0x50, s24;
	s23 =	sor.u32 s23, s17;
	v11 =	vor.u32 $0x1, v3  }
0x26: {  	s18 =	simm.s32 $0x0;
	s14 =	sand.u32 $0x60, s25;
	s16 =	sor.u32 s15, s17;
	[tilespmem:s23+$0x0] =	vst v0  }
0x27: {  	s26 =	sand.u32 $0x40, s18;
	s14 =	sor.u32 s14, s17;
	[tilespmem:s16+$0x0] =	vst v6;
	v0 =	vld.idx.msk [tilespmem:v5+s2+$0x0], $0xffff  }
0x28: {  	s15 =	sor.u32 s26, s17;
	[tilespmem:s14+$0x0] =	vst v8;
	v5 =	vor.u32 $0x2, v4;
	v6 =	vld.idx.msk [tilespmem:v7+s2+$0x0], $0xffff  }
0x29: {  	[tilespmem:s15+$0x0] =	vst v10;
	v7 =	vor.u32 $0x2, v1;
	v8 =	vld.idx.msk [tilespmem:v9+s2+$0x0], $0xffff  }
0x2a: {  	v9 =	vor.u32 $0x2, v2;
	v10 =	vld.idx.msk [tilespmem:v11+s2+$0x0], $0xffff  }
0x2b: {  	v11 =	vor.u32 $0x2, v3  }
0x2c: {  	[tilespmem:s23+$0x80] =	vst v0  }
0x2d: {  	[tilespmem:s16+$0x80] =	vst v6;
	v0 =	vld.idx.msk [tilespmem:v5+s2+$0x0], $0xffff  }
0x2e: {  	[tilespmem:s14+$0x80] =	vst v8;
	v5 =	vor.u32 $0x3, v4;
	v6 =	vld.idx.msk [tilespmem:v7+s2+$0x0], $0xffff  }
0x2f: {  	[tilespmem:s15+$0x80] =	vst v10;
	v7 =	vor.u32 $0x3, v1;
	v8 =	vld.idx.msk [tilespmem:v9+s2+$0x0], $0xffff  }
0x30: {  	v9 =	vor.u32 $0x3, v2;
	v10 =	vld.idx.msk [tilespmem:v11+s2+$0x0], $0xffff  }
0x31: {  	v11 =	vor.u32 $0x3, v3  }
0x32: {  	[tilespmem:s23+$0x100] =	vst v0  }
0x33: {  	[tilespmem:s16+$0x100] =	vst v6;
	v0 =	vld.idx.msk [tilespmem:v5+s2+$0x0], $0xffff  }
0x34: {  	[tilespmem:s14+$0x100] =	vst v8;
	v5 =	vor.u32 $0x4, v4;
	v6 =	vld.idx.msk [tilespmem:v7+s2+$0x0], $0xffff  }
0x35: {  	[tilespmem:s15+$0x100] =	vst v10;
	v7 =	vor.u32 $0x4, v1;
	v8 =	vld.idx.msk [tilespmem:v9+s2+$0x0], $0xffff  }
0x36: {  	v9 =	vor.u32 $0x4, v2;
	v10 =	vld.idx.msk [tilespmem:v11+s2+$0x0], $0xffff  }
0x37: {  	v11 =	vor.u32 $0x4, v3  }
0x38: {  	[tilespmem:s23+$0x180] =	vst v0  }
0x39: {  	[tilespmem:s16+$0x180] =	vst v6;
	v0 =	vld.idx.msk [tilespmem:v5+s2+$0x0], $0xffff  }
0x3a: {  	[tilespmem:s14+$0x180] =	vst v8;
	v6 =	vld.idx.msk [tilespmem:v7+s2+$0x0], $0xffff  }
0x3b: {  	[tilespmem:s15+$0x180] =	vst v10;
	v7 =	vld.idx.msk [tilespmem:v9+s2+$0x0], $0xffff  }
0x3c: {  	s28 =	simm.s32 $0x260;
	v8 =	vld.idx.msk [tilespmem:v11+s2+$0x0], $0xffff  }
0x3d: {  	v9 =	vld [tilespmem:s28+$0x10]  }
0x3e: {  	v5 =	vor.u32 $0x5, v4;
	v11 =	vld [tilespmem:s28+$0xFFFFFFF0]  }
0x3f: {  	v10 =	vor.u32 $0x5, v3  }
0x40: {  	v14 =	vld [tilespmem:s28+$0x0];
	v12 =	vor.u32 $0x5, v1  }
0x41: {  	v17 =	vor.u32 $0x5, v2  }
0x42: {  	v16 =	vld [tilespmem:s28+$0xFFFFFFE0];
	[tilespmem:s23+$0x200] =	vst v0;
	v0 =	vshll.u32 v9, $0x4  }
0x43: {  	[tilespmem:s15+$0x200] =	vst v8;
	v13 =	vshll.u32 v11, $0x4;
	v5 =	vld.idx.msk [tilespmem:v5+s2+$0x0], $0xffff  }
0x44: {  	v15 =	vor.u32 $0x6, v4;
	[tilespmem:s16+$0x200] =	vst v6;
	v6 =	vld.idx.msk [tilespmem:v10+s2+$0x0], $0xffff  }
0x45: {  	v18 =	vshll.u32 v14, $0x4;
	[tilespmem:s14+$0x200] =	vst v7;
	v8 =	vld.idx.msk [tilespmem:v12+s2+$0x0], $0xffff  }
0x46: {  	v7 =	vld.idx.msk [tilespmem:v17+s2+$0x0], $0xffff  }
0x47: {  	s20 =	simm.s32 $0x1000;
	v16 =	vshll.u32 v16, $0x4;
	v11 =	vld.idx.msk [tilespmem:v0+s2+$0x0], $0xffff  }
0x48: {  	s29 =	sand.u32 $0x6000, s20;
	v14 =	vor.u32 $0x1, v0;
	v12 =	vld.idx.msk [tilespmem:v13+s2+$0x0], $0xffff;
	[tilespmem:s23+$0x280] =	vst v5  }
0x49: {  	s21 =	simm.s32 $0x70;
	s17 =	sshrl.u32 s29, $0x2;
	v10 =	vor.u32 $0x6, v3;
	[tilespmem:s15+$0x280] =	vst v6;
	v5 =	vld.idx.msk [tilespmem:v15+s2+$0x0], $0xffff  }
0x4a: {  	s31 =	simm.s32 $0x50;
	s30 =	sand.u32 $0x70, s21;
	s22 =	sor.u32 $0x600, s17;
	v6 =	vld.idx.msk [tilespmem:v18+s2+$0x0], $0xffff;
	[tilespmem:s16+$0x280] =	vst v8;
	v15 =	vor.u32 $0x6, v1  }
0x4b: {  	s18 =	sand.u32 $0x50, s31;
	s17 =	sor.u32 s30, s22;
	v17 =	vor.u32 $0x1, v13;
	[tilespmem:s14+$0x280] =	vst v7  }
0x4c: {  	s19 =	simm.s32 $0x60;
	s18 =	sor.u32 s18, s22;
	v19 =	vld.idx.msk [tilespmem:v16+s2+$0x0], $0xffff;
	v9 =	vor.u32 $0x7, v4;
	[tilespmem:s17+$0x0] =	vst v11  }
0x4d: {  	s19 =	sand.u32 $0x60, s19;
	[tilespmem:s18+$0x0] =	vst v12;
	v7 =	vld.idx.msk [tilespmem:v14+s2+$0x0], $0xffff;
	v14 =	vor.u32 $0x6, v2  }
0x4e: {  	s19 =	sor.u32 s19, s22;
	v10 =	vld.idx.msk [tilespmem:v10+s2+$0x0], $0xffff;
	[tilespmem:s23+$0x300] =	vst v5;
	v5 =	vor.u32 $0x1, v18  }
0x4f: {  	[tilespmem:s19+$0x0] =	vst v6;
	v6 =	vor.u32 $0x2, v0;
	v12 =	vld.idx.msk [tilespmem:v15+s2+$0x0], $0xffff  }
0x50: {  	s24 =	simm.s32 $0x40;
	v15 =	vld.idx.msk [tilespmem:v17+s2+$0x0], $0xffff;
	v17 =	vor.u32 $0x7, v3  }
0x51: {  	s24 =	sand.u32 $0x40, s24;
	v8 =	vld.idx.msk [tilespmem:v9+s2+$0x0], $0xffff;
	v9 =	vor.u32 $0x1, v16  }
0x52: {  	s22 =	sor.u32 s24, s22;
	v11 =	vor.u32 $0x8, v4;
	[tilespmem:s17+$0x80] =	vst v7;
	v7 =	vld.idx.msk [tilespmem:v14+s2+$0x0], $0xffff  }
0x53: {  	[tilespmem:s22+$0x0] =	vst v19;
	v5 =	vld.idx.msk [tilespmem:v5+s2+$0x0], $0xffff  }
0x54: {  	v19 =	vor.u32 $0x2, v13;
	[tilespmem:s15+$0x300] =	vst v10;
	v6 =	vld.idx.msk [tilespmem:v6+s2+$0x0], $0xffff  }
0x55: {  	[tilespmem:s16+$0x300] =	vst v12;
	v12 =	vor.u32 $0x7, v1;
	v14 =	vld.idx.msk [tilespmem:v17+s2+$0x0], $0xffff  }
0x56: {  	v9 =	vld.idx.msk [tilespmem:v9+s2+$0x0], $0xffff;
	[tilespmem:s23+$0x380] =	vst v8;
	v8 =	vor.u32 $0x2, v18  }
0x57: {  	[tilespmem:s18+$0x80] =	vst v15;
	v10 =	vld.idx.msk [tilespmem:v11+s2+$0x0], $0xffff;
	v11 =	vor.u32 $0x2, v16  }
0x58: {  	v17 =	vor.u32 $0x7, v2;
	[tilespmem:s14+$0x300] =	vst v7  }
0x59: {  	v4 =	vor.u32 $0x9, v4;
	v15 =	vld.idx.msk [tilespmem:v19+s2+$0x0], $0xffff;
	[tilespmem:s19+$0x80] =	vst v5  }
0x5a: {  	v5 =	vor.u32 $0x3, v0;
	[tilespmem:s17+$0x100] =	vst v6;
	v6 =	vld.idx.msk [tilespmem:v12+s2+$0x0], $0xffff  }
0x5b: {  	v12 =	vor.u32 $0x8, v3;
	[tilespmem:s22+$0x80] =	vst v9;
	v8 =	vld.idx.msk [tilespmem:v8+s2+$0x0], $0xffff  }
0x5c: {  	[tilespmem:s15+$0x380] =	vst v14;
	v9 =	vor.u32 $0x3, v13;
	v11 =	vld.idx.msk [tilespmem:v11+s2+$0x0], $0xffff  }
0x5d: {  	v7 =	vor.u32 $0x3, v16;
	v17 =	vld.idx.msk [tilespmem:v17+s2+$0x0], $0xffff;
	[tilespmem:s23+$0x400] =	vst v10  }
0x5e: {  	[tilespmem:s18+$0x100] =	vst v15;
	v10 =	vor.u32 $0x3, v18;
	v4 =	vld.idx.msk [tilespmem:v4+s2+$0x0], $0xffff  }
0x5f: {  	v14 =	vor.u32 $0x8, v1;
	v5 =	vld.idx.msk [tilespmem:v5+s2+$0x0], $0xffff;
	[tilespmem:s16+$0x380] =	vst v6  }
0x60: {  	v20 =	vor.u32 $0x8, v2;
	v26 =	vld.idx.msk [tilespmem:v12+s2+$0x0], $0xffff;
	[tilespmem:s19+$0x100] =	vst v8  }
0x61: {  	v19 =	vld.idx.msk [tilespmem:v9+s2+$0x0], $0xffff;
	v8 =	vor.u32 $0x4, v0;
	[tilespmem:s22+$0x100] =	vst v11  }
0x62: {  	v25 =	vor.u32 $0x4, v18;
	v23 =	vor.u32 $0x4, v13;
	[tilespmem:s14+$0x380] =	vst v17;
	v24 =	vld.idx.msk [tilespmem:v7+s2+$0x0], $0xffff  }
0x63: {  	v27 =	vor.u32 $0x9, v3;
	v28 =	vor.u32 $0x4, v16;
	v3 =	vor.u32 $0x9, v16;
	v11 =	vld.idx.msk [tilespmem:v10+s2+$0x0], $0xffff;
	[tilespmem:s23+$0x480] =	vst v4  }
0x64: {  	v15 =	vor.u32 $0x5, v16;
	v17 =	vor.u32 $0x5, v18;
	v12 =	vor.u32 $0x6, v18;
	v29 =	vld.idx.msk [tilespmem:v14+s2+$0x0], $0xffff;
	[tilespmem:s17+$0x180] =	vst v5  }
0x65: {  	v6 =	vor.u32 $0x8, v18;
	v14 =	vor.u32 $0x5, v13;
	v9 =	vor.u32 $0x6, v13;
	v21 =	vld.idx.msk [tilespmem:v20+s2+$0x0], $0xffff;
	[tilespmem:s15+$0x400] =	vst v26  }
0x66: {  	v10 =	vor.u32 $0x6, v16;
	v7 =	vor.u32 $0x7, v13;
	v4 =	vor.u32 $0x8, v13;
	v22 =	vld.idx.msk [tilespmem:v8+s2+$0x0], $0xffff;
	[tilespmem:s18+$0x180] =	vst v19  }
0x67: {  	v5 =	vor.u32 $0x8, v16;
	v8 =	vor.u32 $0x7, v16;
	v19 =	vld.idx.msk [tilespmem:v23+s2+$0x0], $0xffff;
	[tilespmem:s22+$0x180] =	vst v24;
	v24 =	vor.u32 $0x5, v0  }
0x68: {  	v16 =	vor.u32 $0x9, v13;
	v13 =	vor.u32 $0x9, v18;
	[tilespmem:s19+$0x180] =	vst v11;
	v11 =	vor.u32 $0x7, v18;
	v18 =	vld.idx.msk [tilespmem:v27+s2+$0x0], $0xffff  }
0x69: {  	v20 =	vld.idx.msk [tilespmem:v25+s2+$0x0], $0xffff  }
0x6a: {  	s24 =	simm.s32 $0x2A0;
	v2 =	vor.u32 $0x9, v2;
	v1 =	vor.u32 $0x9, v1;
	s23 =	simm.s32 $0x4;
	[tilespmem:s16+$0x400] =	vst v29;
	v23 =	vld.idx.msk [tilespmem:v28+s2+$0x0], $0xffff  }
.LBB2_2:
0x6b: {  	v25 =	vld [tilespmem:s24+$0x10];
	s23 =	sadd.s32 $0x4, s23;
	[tilespmem:s17+$0x200] =	vst v22  }
0x6c: {  	p0 =	slt.u32 s23, $0x1C;
	v22 =	vld.idx.msk [tilespmem:v24+s2+$0x0], $0xffff;
	[tilespmem:s14+$0x400] =	vst v21  }
0x6d: {  	v21 =	vld [tilespmem:s24+$0xFFFFFFF0];
	[tilespmem:s18+$0x200] =	vst v19  }
0x6e: {  	v19 =	vld [tilespmem:s24+$0x0];
	[tilespmem:s19+$0x200] =	vst v20;
	v20 =	vor.u32 $0x6, v0  }
0x6f: {  	v24 =	vld [tilespmem:s24+$0xFFFFFFE0];
	[tilespmem:s22+$0x200] =	vst v23  }
0x70: {  	v23 =	vshll.u32 v25, $0x4;
	v15 =	vld.idx.msk [tilespmem:v15+s2+$0x0], $0xffff;
	[tilespmem:s15+$0x480] =	vst v18;
	s15 =	smov.u32 s22  }
0x71: {  	v14 =	vld.idx.msk [tilespmem:v14+s2+$0x0], $0xffff  }
0x72: {  	v21 =	vshll.u32 v21, $0x4;
	v17 =	vld.idx.msk [tilespmem:v17+s2+$0x0], $0xffff;
	[tilespmem:s17+$0x280] =	vst v22  }
0x73: {  	v22 =	vor.u32 $0x1, v21;
	v25 =	vor.u32 $0x2, v21;
	v26 =	vshll.u32 v19, $0x4;
	v27 =	vld.idx.msk [tilespmem:v20+s2+$0x0], $0xffff  }
0x74: {  	v24 =	vshll.u32 v24, $0x4;
	v28 =	vor.u32 $0x1, v26;
	v29 =	vor.u32 $0x2, v26;
	v30 =	vld.idx.msk [tilespmem:v1+s2+$0x0], $0xffff;
	v1 =	vmovc v16  }
0x75: {  	v33 =	vor.u32 $0x7, v0;
	v31 =	vor.u32 $0x1, v24;
	v32 =	vor.u32 $0x2, v24;
	v16 =	vld.idx.msk [tilespmem:v23+s2+$0x0], $0xffff  }
0x76: {  	s20 =	sadd.s32 $0x1000, s20;
	v35 =	vor.u32 $0x3, v21;
	v36 =	vor.u32 $0x3, v26;
	v34 =	vor.u32 $0x3, v24;
	[tilespmem:s15+$0x280] =	vst v15;
	v37 =	vld.idx.msk [tilespmem:v2+s2+$0x0], $0xffff;
	v2 =	vmovc v13  }
0x77: {  	s22 =	sand.u32 $0x6000, s20;
	v38 =	vor.u32 $0x1, v23;
	v19 =	vor.u32 $0x4, v21;
	v18 =	vor.u32 $0x4, v24;
	v13 =	vld.idx.msk [tilespmem:v21+s2+$0x0], $0xffff;
	[tilespmem:s18+$0x280] =	vst v14  }
0x78: {  	s21 =	sadd.s32 $0x40, s21;
	s22 =	sshrl.u32 s22, $0x2;
	v20 =	vor.u32 $0x4, v26;
	v15 =	vor.u32 $0x5, v24;
	v14 =	vor.u32 $0x5, v21;
	v39 =	vld.idx.msk [tilespmem:v26+s2+$0x0], $0xffff;
	[tilespmem:s19+$0x280] =	vst v17  }
0x79: {  	s26 =	sadd.s32 $0xFFFFFFD0, s21;
	s28 =	sor.u32 $0x600, s22;
	s22 =	sand.u32 $0x70, s21;
	v42 =	vor.u32 $0x6, v21;
	v41 =	vor.u32 $0x6, v24;
	v17 =	vor.u32 $0x5, v26;
	v40 =	vld.idx.msk [tilespmem:v24+s2+$0x0], $0xffff;
	[tilespmem:s17+$0x300] =	vst v27  }
0x7a: {  	s29 =	sadd.s32 $0xFFFFFFE0, s21;
	s30 =	sadd.s32 $0xFFFFFFF0, s21;
	v43 =	vor.u32 $0x7, v21;
	s25 =	sor.u32 s22, s28;
	v44 =	vor.u32 $0x6, v26;
	v27 =	vor.u32 $0x7, v24;
	v33 =	vld.idx.msk [tilespmem:v33+s2+$0x0], $0xffff;
	[tilespmem:s16+$0x480] =	vst v30  }
0x7b: {  	v45 =	vor.u32 $0x8, v21;
	v46 =	vor.u32 $0x7, v26;
	s16 =	sand.u32 $0x40, s26;
	v30 =	vor.u32 $0x8, v24;
	s26 =	sand.u32 $0x50, s29;
	s29 =	sand.u32 $0x60, s30;
	[tilespmem:s25+$0x0] =	vst v16;
	v47 =	vld.idx.msk [tilespmem:v10+s2+$0x0], $0xffff;
	v10 =	vmovc v41  }
0x7c: {  	v48 =	vor.u32 $0x8, v0;
	s22 =	sor.u32 s16, s28;
	v41 =	vor.u32 $0x9, v24;
	s26 =	sor.u32 s26, s28;
	s28 =	sor.u32 s29, s28;
	v24 =	vor.u32 $0x8, v26;
	v38 =	vld.idx.msk [tilespmem:v38+s2+$0x0], $0xffff;
	[tilespmem:s14+$0x480] =	vst v37  }
0x7d: {  	v16 =	vor.u32 $0x9, v21;
	s16 =	smov.u32 s18;
	s18 =	smov.u32 s26;
	s14 =	smov.u32 s19;
	[tilespmem:s26+$0x0] =	vst v13;
	v13 =	vor.u32 $0x9, v26;
	v21 =	vld.idx.msk [tilespmem:v9+s2+$0x0], $0xffff;
	v9 =	vmov v42  }
0x7e: {  	s19 =	smov.u32 s28;
	v26 =	vor.u32 $0x2, v23;
	v22 =	vld.idx.msk [tilespmem:v22+s2+$0x0], $0xffff;
	[tilespmem:s28+$0x0] =	vst v39  }
0x7f: {  	[tilespmem:s22+$0x0] =	vst v40;
	v28 =	vld.idx.msk [tilespmem:v28+s2+$0x0], $0xffff  }
0x80: {  	v31 =	vld.idx.msk [tilespmem:v31+s2+$0x0], $0xffff;
	[tilespmem:s17+$0x380] =	vst v33  }
0x81: {  	[tilespmem:s15+$0x300] =	vst v47;
	v33 =	vld.idx.msk [tilespmem:v48+s2+$0x0], $0xffff  }
0x82: {  	[tilespmem:s25+$0x80] =	vst v38;
	v37 =	vld.idx.msk [tilespmem:v12+s2+$0x0], $0xffff;
	v12 =	vmov v44  }
0x83: {  	v26 =	vld.idx.msk [tilespmem:v26+s2+$0x0], $0xffff;
	[tilespmem:s16+$0x300] =	vst v21;
	v21 =	vor.u32 $0x9, v0;
	v0 =	vmov v23  }
0x84: {  	[tilespmem:s18+$0x80] =	vst v22;
	v22 =	vld.idx.msk [tilespmem:v8+s2+$0x0], $0xffff;
	v8 =	vmov v27  }
0x85: {  	v23 =	vld.idx.msk [tilespmem:v25+s2+$0x0], $0xffff;
	[tilespmem:s19+$0x80] =	vst v28;
	v25 =	vor.u32 $0x3, v0  }
0x86: {  	[tilespmem:s22+$0x80] =	vst v31;
	v27 =	vld.idx.msk [tilespmem:v29+s2+$0x0], $0xffff  }
0x87: {  	v28 =	vld.idx.msk [tilespmem:v32+s2+$0x0], $0xffff;
	[tilespmem:s17+$0x400] =	vst v33  }
0x88: {  	[tilespmem:s14+$0x300] =	vst v37;
	v21 =	vld.idx.msk [tilespmem:v21+s2+$0x0], $0xffff  }
0x89: {  	[tilespmem:s25+$0x100] =	vst v26;
	v26 =	vld.idx.msk [tilespmem:v7+s2+$0x0], $0xffff;
	v7 =	vmov v43  }
0x8a: {  	v25 =	vld.idx.msk [tilespmem:v25+s2+$0x0], $0xffff;
	[tilespmem:s15+$0x380] =	vst v22  }
0x8b: {  	[tilespmem:s18+$0x100] =	vst v23;
	v23 =	vld.idx.msk [tilespmem:v11+s2+$0x0], $0xffff;
	v11 =	vmov v46  }
0x8c: {  	v22 =	vor.u32 $0x4, v0;
	v29 =	vld.idx.msk [tilespmem:v35+s2+$0x0], $0xffff;
	[tilespmem:s19+$0x100] =	vst v27  }
0x8d: {  	[tilespmem:s22+$0x100] =	vst v28;
	v27 =	vld.idx.msk [tilespmem:v36+s2+$0x0], $0xffff  }
0x8e: {  	v28 =	vld.idx.msk [tilespmem:v34+s2+$0x0], $0xffff;
	[tilespmem:s17+$0x480] =	vst v21;
	s17 =	smov.u32 s25  }
0x8f: {  	v31 =	vld.idx.msk [tilespmem:v5+s2+$0x0], $0xffff;
	[tilespmem:s16+$0x380] =	vst v26;
	v5 =	vmov v30  }
0x90: {  	[tilespmem:s17+$0x180] =	vst v25;
	v25 =	vld.idx.msk [tilespmem:v4+s2+$0x0], $0xffff;
	v4 =	vmov v45  }
0x91: {  	v22 =	vld.idx.msk [tilespmem:v22+s2+$0x0], $0xffff;
	[tilespmem:s14+$0x380] =	vst v23  }
.Ltmp0:
0x92: {  	[tilespmem:s18+$0x180] =	vst v29;
	v21 =	vld.idx.msk [tilespmem:v6+s2+$0x0], $0xffff;
	v6 =	vmov v24;
	(pc) =	sbr.rel @p0 .LBB2_2-.Ltmp0, $4  }
0x93: {  	v24 =	vor.u32 $0x5, v0;
	v19 =	vld.idx.msk [tilespmem:v19+s2+$0x0], $0xffff;
	[tilespmem:s19+$0x180] =	vst v27  }
0x94: {  	[tilespmem:s22+$0x180] =	vst v28;
	v20 =	vld.idx.msk [tilespmem:v20+s2+$0x0], $0xffff  }
0x95: {  	v23 =	vld.idx.msk [tilespmem:v18+s2+$0x0], $0xffff;
	[tilespmem:s15+$0x400] =	vst v31  }
0x96: {  	s24 =	sadd.s32 $0x40, s24;
	v18 =	vld.idx.msk [tilespmem:v3+s2+$0x0], $0xffff;
	[tilespmem:s16+$0x400] =	vst v25;
	v3 =	vmov v41  }
0x97: {  	_ =	sdelay $0x2  }
0x98: {  	[tilespmem:s17+$0x200] =	vst v22  }
0x99: {  	v22 =	vld.idx.msk [tilespmem:v24+s2+$0x0], $0xffff;
	[tilespmem:s18+$0x200] =	vst v19  }
0x9a: {  	v59 =	vor.u32 $0x6, v0;
	[tilespmem:s19+$0x200] =	vst v20;
	v14 =	vld.idx.msk [tilespmem:v14+s2+$0x0], $0xffff  }
0x9b: {  	[tilespmem:s22+$0x200] =	vst v23;
	v17 =	vld.idx.msk [tilespmem:v17+s2+$0x0], $0xffff  }
0x9c: {  	v15 =	vld.idx.msk [tilespmem:v15+s2+$0x0], $0xffff;
	_ =	sdelay $0x1  }
0x9d: {  	[tilespmem:s17+$0x280] =	vst v22  }
0x9e: {  	v19 =	vld.idx.msk [tilespmem:v59+s2+$0x0], $0xffff;
	[tilespmem:s18+$0x280] =	vst v14  }
0x9f: {  	v60 =	vor.u32 $0x7, v0;
	[tilespmem:s19+$0x280] =	vst v17;
	v9 =	vld.idx.msk [tilespmem:v9+s2+$0x0], $0xffff  }
0xa0: {  	[tilespmem:s22+$0x280] =	vst v15;
	v12 =	vld.idx.msk [tilespmem:v12+s2+$0x0], $0xffff  }
0xa1: {  	v10 =	vld.idx.msk [tilespmem:v10+s2+$0x0], $0xffff;
	_ =	sdelay $0x1  }
0xa2: {  	[tilespmem:s17+$0x300] =	vst v19  }
0xa3: {  	v61 =	vld.idx.msk [tilespmem:v60+s2+$0x0], $0xffff;
	[tilespmem:s18+$0x300] =	vst v9  }
0xa4: {  	v62 =	vor.u32 $0x8, v0;
	[tilespmem:s19+$0x300] =	vst v12;
	v7 =	vld.idx.msk [tilespmem:v7+s2+$0x0], $0xffff  }
0xa5: {  	[tilespmem:s22+$0x300] =	vst v10;
	v63 =	vld.idx.msk [tilespmem:v11+s2+$0x0], $0xffff  }
0xa6: {  	v8 =	vld.idx.msk [tilespmem:v8+s2+$0x0], $0xffff;
	_ =	sdelay $0x1  }
0xa7: {  	v1 =	vld.idx.msk [tilespmem:v1+s2+$0x0], $0xffff;
	[tilespmem:s17+$0x380] =	vst v61  }
0xa8: {  	v10 =	vld.idx.msk [tilespmem:v62+s2+$0x0], $0xffff;
	[tilespmem:s18+$0x380] =	vst v7  }
0xa9: {  	v0 =	vor.u32 $0x9, v0;
	v4 =	vld.idx.msk [tilespmem:v4+s2+$0x0], $0xffff;
	[tilespmem:s19+$0x380] =	vst v63  }
0xaa: {  	[tilespmem:s22+$0x380] =	vst v8;
	v6 =	vld.idx.msk [tilespmem:v6+s2+$0x0], $0xffff  }
0xab: {  	[tilespmem:s14+$0x400] =	vst v21;
	v5 =	vld.idx.msk [tilespmem:v5+s2+$0x0], $0xffff  }
0xac: {  	[tilespmem:s16+$0x480] =	vst v1  }
0xad: {  	v2 =	vld.idx.msk [tilespmem:v2+s2+$0x0], $0xffff;
	[tilespmem:s17+$0x400] =	vst v10  }
0xae: {  	v0 =	vld.idx.msk [tilespmem:v0+s2+$0x0], $0xffff;
	[tilespmem:s18+$0x400] =	vst v4  }
0xaf: {  	[tilespmem:s19+$0x400] =	vst v6;
	v4 =	vld.idx.msk [tilespmem:v16+s2+$0x0], $0xffff  }
0xb0: {  	[tilespmem:s22+$0x400] =	vst v5;
	v1 =	vld.idx.msk [tilespmem:v13+s2+$0x0], $0xffff  }
0xb1: {  	[tilespmem:s15+$0x480] =	vst v18;
	v3 =	vld.idx.msk [tilespmem:v3+s2+$0x0], $0xffff  }
0xb2: {  	[tilespmem:s14+$0x480] =	vst v2  }
0xb3: {  	[tilespmem:s17+$0x480] =	vst v0  }
0xb4: {  	[tilespmem:s18+$0x480] =	vst v4  }
0xb5: {  	[tilespmem:s19+$0x480] =	vst v1  }
0xb6: {  	[tilespmem:s22+$0x480] =	vst v3  }
0xb7: {  	_ =	swait.ge [sflag:s10], $0x200  }
0xb8: {  	[sflag:s10] =	ssyncset.done $0x0  }
0xb9: {  	s31 =	simm.s32 $0x440;
	[sflag:s10] =	ssyncadd.s32 $0xFFFFFE00  }
0xba: {  	v3 =	vld [tilespmem:s31+$0x30]  }
0xbb: {  	v4 =	vld [tilespmem:s31+$0xFFFFFFD0]  }
0xbc: {  	v5 =	vld [tilespmem:s31+$0xFFFFFFE0]  }
0xbd: {  	v0 =	vld [tilespmem:s31+$0xFFFFFFF0]  }
0xbe: {  	s14 =	simm.s32 $0xB70;
	v1 =	vld [tilespmem:s31+$0x0]  }
0xbf: {  	v2 =	vld [tilespmem:s31+$0x10];
	[tilespmem:s14+$0x0] =	vst v3  }
0xc0: {  	[tilespmem:s14+$0xFFFFFFA0] =	vst v4;
	v3 =	vld [tilespmem:s31+$0x20]  }
0xc1: {  	s15 =	simm.s32 $0x0;
	s16 =	simm.s32 $0x4C0;
	v4 =	vld [tilespmem:s31+$0xFFFFFFC0];
	[tilespmem:s14+$0xFFFFFFB0] =	vst v5  }
.LBB2_4:
0xc2: {  	v5 =	vld [tilespmem:s16+$0x30];
	s15 =	sadd.s32 $0x8, s15;
	[tilespmem:s14+$0xFFFFFFC0] =	vst v0  }
0xc3: {  	v6 =	vld [tilespmem:s16+$0xFFFFFFD0];
	p0 =	slt.u32 s15, $0x18;
	[tilespmem:s14+$0xFFFFFFD0] =	vst v1  }
0xc4: {  	v7 =	vld [tilespmem:s16+$0xFFFFFFE0];
	[tilespmem:s14+$0xFFFFFFE0] =	vst v2  }
.Ltmp1:
0xc5: {  	v0 =	vld [tilespmem:s16+$0xFFFFFFF0];
	[tilespmem:s14+$0xFFFFFFF0] =	vst v3;
	(pc) =	sbr.rel @p0 .LBB2_4-.Ltmp1, $4  }
0xc6: {  	v1 =	vld [tilespmem:s16+$0x0];
	[tilespmem:s14+$0xFFFFFF90] =	vst v4;
	s14 =	sadd.s32 $0x800, s14  }
0xc7: {  	v2 =	vld [tilespmem:s16+$0x10];
	[tilespmem:s14+$0x0] =	vst v5  }
0xc8: {  	[tilespmem:s14+$0xFFFFFFA0] =	vst v6;
	v3 =	vld [tilespmem:s16+$0x20]  }
0xc9: {  	v4 =	vld [tilespmem:s16+$0xFFFFFFC0];
	[tilespmem:s14+$0xFFFFFFB0] =	vst v7;
	s16 =	sadd.s32 $0x80, s16  }
0xca: {  	[tilespmem:s14+$0xFFFFFFC0] =	vst v0  }
0xcb: {  	[tilespmem:s14+$0xFFFFFFD0] =	vst v1  }
0xcc: {  	s13 =	sadd.s32 $0x1, s13;
	[tilespmem:s14+$0xFFFFFFE0] =	vst v2  }
0xcd: {  	p0 =	sne.s32 s13, s7;
	[tilespmem:s14+$0xFFFFFFF0] =	vst v3  }
.Ltmp2:
0xce: {  	[tilespmem:s14+$0xFFFFFF90] =	vst v4;
	(pc) =	sbr.rel @p0 .LBB2_1-.Ltmp2, $4  }
0xcf: {  	[hbm4b:s6+s2] =	stream.linear.scatter [tilespmem:s11], [sflag:$0x2], $0x2000, $0x38;
	[tilespmem:$0x2600] =	vst v63  }
0xd0: {  	_ =	swait.ge [sflag:s12], $0x2000  }
0xd1: {  	[sflag:s12] =	ssyncset.done $0x0  }
0xd2: {  	[sflag:s12] =	ssyncadd.s32 $0xFFFFE000  }
0xd3: {  	_ =	sfence.sel $0x180000  }
0xd4: {  	[bflag:$0x0] =	sbarrier.arrive $0xFFFF  }
0xd5: {  	p0 =	sne.s32 s1, $0x0;
	_ =	strace $0x90000047  }
0xd6: {  	s0 =	sadd.s32 @!p0 $0x100000, s0;
	[bflag:$0x2] =	sbarrier.arrive $0xFFFF  }
0xd7: {  	[sflag:s0] =	ssyncadd.tile.s32 @!p0 $0x1;
	_ =	shalt  }
.Lfunc_end2:
_tile_overlayer_lowered:
.L_overlay_start_2:
0xd8: {  	(tag) =	ssettag $0x2  }
0xd9: {  	s0 =	rddreg [dreg:$0x0];
	s2 =	stileid.u32  }
0xda: {  	s1 =	rddreg [dreg:$0x1];
	p0 =	sne.s32 s2, $0x0  }
0xdb: {  	s3 =	rddreg [dreg:$0x2];
	[bflag:$0x3] =	sbarrier.arrive $0xFFFF;
	s2 =	simm.s32 @!p0 $0x1C02  }
0xdc: {  	[timem:s3], [sflag:s2] =	dma.local @!p0 [hbm:s0], s1  }
0xdd: {  	s0 =	simm.s32 @!p0 $0x2  }
0xde: {  	_ =	swait.ge @!p0 [sflag:s0], s1  }
0xdf: {  	s1 =	ssub.s32 @!p0 $0x0, s1;
	[sflag:s0] =	ssyncset.done @!p0 $0x0  }
0xe0: {  	[sflag:s0] =	ssyncadd.s32 @!p0 s1  }
0xe1: {  	[bflag:$0x3] =	sbarrier.arrive $0xFFFF  }
0xe2: {  	_ =	shalt  }

</sc_bundles>
